<compile_context>
chip_gen: v7x
topology: tpu7x:2x2x1
jax: 0.10.2.dev20260603
libtpu: 0.0.44.dev20260713+nightly
codegen_flags: <defaults>
</compile_context>

<pallas_src>
import functools

import jax
import jax.numpy as jnp
from jax import lax
from jax.experimental import pallas as pl
from jax.experimental.pallas import tpu as pltpu
from jax.experimental.pallas import tpu_sc as plsc

_FALSE_NEG_SCORE = -1e9
_NW = 32
_W = 128


def _sc_gather_rows(table3, ids):
    n, = ids.shape
    d = table3.shape[2]
    b_per_w = n // _NW
    mesh = plsc.VectorSubcoreMesh(core_axis_name="c", subcore_axis_name="s")

    @functools.partial(
        pl.kernel,
        mesh=mesh,
        out_type=jax.ShapeDtypeStruct((n, _W), jnp.float32),
        scratch_types=[
            pltpu.VMEM((b_per_w,), jnp.int32),
            pltpu.VMEM((b_per_w, _W), jnp.float32),
            pltpu.SemaphoreType.DMA,
        ],
        compiler_params=pltpu.CompilerParams(needs_layout_passes=False),
    )
    def gather_kernel(ids_hbm, table_hbm, out_hbm, ids_v, rows_v, sem):
        wid = lax.axis_index("s") * 2 + lax.axis_index("c")
        base = wid * b_per_w
        pltpu.sync_copy(ids_hbm.at[pl.ds(base, b_per_w)], ids_v)
        lane_iota = lax.iota(jnp.int32, 16)
        id_lane = jnp.full((16,), d, jnp.int32)

        def chunk_body(c, _):
            ids16 = ids_v[pl.ds(c * 16, 16)]
            plsc.store_scatter(rows_v, [c * 16 + lane_iota, id_lane],
                               ids16.astype(jnp.float32))
            for l in range(16):
                idl = jnp.sum(jnp.where(lane_iota == l, ids16, 0))
                t = lax.shift_right_logical(idl, 3)
                s = lax.bitwise_and(idl, 7)
                pltpu.async_copy(table_hbm.at[t, s],
                                 rows_v.at[c * 16 + l, pl.ds(0, d)], sem)
            return ()

        lax.fori_loop(0, b_per_w // 16, chunk_body, (), unroll=False)
        pltpu.make_async_copy(out_hbm.at[pl.ds(base, b_per_w // 2)],
                              rows_v.at[pl.ds(0, b_per_w // 2)], sem).wait()
        pltpu.sync_copy(rows_v, out_hbm.at[pl.ds(base, b_per_w)])

    return gather_kernel(ids, table3)


def _tc_logits(emb_all, query, neg_idf, n_neg, bb):
    b, d = query.shape
    np_pad = neg_idf.shape[1]
    neg_row_block = b // np_pad

    def body(q_ref, pos_ref, neg_ref, nid_ref, out_ref):
        q = q_ref[...]
        p = pos_ref[:, :d]
        pid = pos_ref[:, d:d + 1]
        pos_score = jnp.sum(q * p, axis=1, keepdims=True)
        scores = lax.dot_general(
            q, neg_ref[:, :d], (((1,), (1,)), ((), ())),
            preferred_element_type=jnp.float32)[:, :1 + n_neg]
        mask = pid == nid_ref[:, :1 + n_neg]
        scores = jnp.where(mask, _FALSE_NEG_SCORE, scores)
        col0 = lax.broadcasted_iota(jnp.int32, (bb, 1 + n_neg), 1) == 0
        out_ref[...] = jnp.where(col0, pos_score, scores)

    return pl.pallas_call(
        body,
        grid=(b // bb,),
        in_specs=[
            pl.BlockSpec((bb, d), lambda i: (i, 0)),
            pl.BlockSpec((bb, _W), lambda i: (i, 0)),
            pl.BlockSpec((np_pad, _W), lambda i: (neg_row_block, 0)),
            pl.BlockSpec((1, np_pad), lambda i: (0, 0)),
        ],
        out_specs=pl.BlockSpec((bb, 1 + n_neg), lambda i: (i, 0)),
        out_shape=jax.ShapeDtypeStruct((b, 1 + n_neg), jnp.float32),
    )(query, emb_all, emb_all, neg_idf)


def kernel(query, table, positive_ids, negative_ids):
    b, d = query.shape
    n = negative_ids.shape[0]
    np_pad = 1024
    neg_pad = jnp.pad(negative_ids, (1, np_pad - n - 1))
    ids_all = jnp.concatenate([positive_ids, neg_pad])
    table3 = table.reshape(table.shape[0] // 8, 8, d)
    emb_all = _sc_gather_rows(table3, ids_all)
    neg_idf = jnp.pad(negative_ids.astype(jnp.float32).reshape(1, n),
                      ((0, 0), (1, np_pad - n - 1)), constant_values=-1.0)
    return _tc_logits(emb_all, query, neg_idf, n, bb=2048)

# --- scband reference (transcript-rebuilt; emitter-appended) ---
"""Pipeline reference for scband-contrastive-look-ups-23373212025395 (READ-ONLY COPY).

The authoritative reference and input builder live on the scoring server;
editing this copy changes nothing except your own understanding.
"""

import jax, jax.numpy as jnp
import numpy as np

NUM_EMBEDDINGS = 1000000
EMBED_DIM = 64
BATCH = 16384
NUM_NEGATIVES = 1000
FALSE_NEG_SCORE = -1e9
DOWNSCORE_FALSE_NEGATIVES = True


def setup_inputs(seed: int = 0) -> dict:
    key = jax.random.key(seed)
    k1, k2, k3, k4 = jax.random.split(key, 4)
    query = jax.random.normal(k1, (BATCH, EMBED_DIM), dtype=jnp.float32)
    # learned parameter: item embedding table (the `prediction` lookup layer's table)
    table = jax.random.normal(k2, (NUM_EMBEDDINGS, EMBED_DIM), dtype=jnp.float32) * 0.02
    positive_ids = jax.random.randint(k3, (BATCH,), 0, NUM_EMBEDDINGS, dtype=jnp.int32)
    # popularity-sampled negatives (deterministic stand-in: uniform randint over vocab)
    negative_ids = jax.random.randint(k4, (NUM_NEGATIVES,), 0, NUM_EMBEDDINGS, dtype=jnp.int32)
    return {"query": query, "table": table, "positive_ids": positive_ids, "negative_ids": negative_ids}


def reference(query, table, positive_ids, negative_ids):
    # ContrastiveLookUps forward:
    # 1) embedding_lookup of positive item ids via the prediction layer's table
    pos_emb = jnp.take(table, positive_ids, axis=0)              # [B, d]
    # 2) embedding_lookup of sampled negative item ids (shared across batch)
    neg_emb = jnp.take(table, negative_ids, axis=0)              # [N, d]
    # 3) positive logits: dot(query, pos_emb)
    pos_score = jnp.sum(query * pos_emb, axis=-1, keepdims=True)  # [B, 1]
    # 4) negative logits: query @ neg_emb^T
    neg_scores = jnp.dot(query, neg_emb.T)                        # [B, N]
    # 5) downscore false negatives (sampled negative == the true positive)
    if DOWNSCORE_FALSE_NEGATIVES:
        false_neg_mask = positive_ids[:, None] == negative_ids[None, :]  # [B, N]
        neg_scores = jnp.where(false_neg_mask, FALSE_NEG_SCORE, neg_scores)
    # 6) concatenate: column 0 is the positive logit, rest are negatives
    logits = jnp.concatenate([pos_score, neg_scores], axis=1)    # [B, 1+N]
    return logits

if __name__ == "__main__":
    import jax
    _d = setup_inputs()
    print(jax.jit(kernel)(*tuple(_d.values())))

</pallas_src>

<mosaic_0001>
#map = affine_map<(d0, d1) -> (0)>
#map1 = affine_map<(d0, d1) -> (0, 0, 0)>
#map2 = affine_map<(d0, d1) -> (0, 0)>
module attributes {stable_mosaic.version = 14 : i64} {
  func.func @gather_kernel(%arg0: i32, %arg1: i32, %arg2: memref<17408xi32, #tpu.memory_space<hbm>>, %arg3: memref<125000x8x64xf32, #tpu.memory_space<hbm>>, %arg4: memref<17408x128xf32, #tpu.memory_space<hbm>>, %arg5: memref<544xi32, #tpu.memory_space<vmem>>, %arg6: memref<544x128xf32, #tpu.memory_space<vmem>>, %arg7: memref<!tpu.dma_semaphore, #tpu.memory_space<semaphore_mem>>) attributes {dimension_semantics = [#tpu.dimension_semantics<core_parallel>, #tpu.dimension_semantics<subcore_parallel>], iteration_bounds = array<i64: 2, 16>, scalar_prefetch = 0 : i64, scratch_operands = 3 : i64, tpu.core_type = #tpu.core_type<sc_vector_subcore>, window_params = [{transform_indices = #map}, {transform_indices = #map1}, {transform_indices = #map2}]} {
    %mul3A = arith.constant 2 : i32
    %mul3A_0 = arith.muli %arg1, %mul3A : i32
    %add3A = arith.addi %mul3A_0, %arg0 : i32
    %mul3A_1 = arith.constant 544 : i32
    %mul3A_2 = arith.muli %add3A, %mul3A_1 : i32
    "tpu.region"() ({
      %run_scoped3A = tpu.sem_alloc : memref<!tpu.dma_semaphore, #tpu.memory_space<semaphore_mem>>
      %dma_start3A = tpu.memref_slice %arg2[%mul3A_2] : memref<17408xi32, #tpu.memory_space<hbm>> -> memref<544xi32, #tpu.memory_space<hbm>>
      %dma_start3A_17 = tpu.memref_slice %arg2[%mul3A_2] : memref<17408xi32, #tpu.memory_space<hbm>> -> memref<544xi32, #tpu.memory_space<hbm>>
      tpu.enqueue_dma source(%dma_start3A_17 : memref<544xi32, #tpu.memory_space<hbm>>) target(%arg5 : memref<544xi32, #tpu.memory_space<vmem>>) target_semaphore(%run_scoped3A : memref<!tpu.dma_semaphore, #tpu.memory_space<semaphore_mem>>)
      %dma_wait3A_18 = tpu.memref_slice %arg2[%mul3A_2] : memref<17408xi32, #tpu.memory_space<hbm>> -> memref<544xi32, #tpu.memory_space<hbm>>
      %dma_wait3A_19 = tpu.memref_slice %arg2[%mul3A_2] : memref<17408xi32, #tpu.memory_space<hbm>> -> memref<544xi32, #tpu.memory_space<hbm>>
      tpu.wait_dma2 semaphore(%run_scoped3A : memref<!tpu.dma_semaphore, #tpu.memory_space<semaphore_mem>>) src(%dma_wait3A_19 : memref<544xi32, #tpu.memory_space<hbm>>) dst(%arg5 : memref<544xi32, #tpu.memory_space<vmem>>)
      tpu.yield
    }) : () -> ()
    %iota3A = tpu.iota {dimensions = array<i32: 0>} : vector<16xi32>
    %broadcast_in_dim3A = arith.constant 64 : i32
    %broadcast_in_dim3A_3 = vector.broadcast %broadcast_in_dim3A : i32 to vector<16xi32>
    %scan3A = arith.constant 0 : i32
    %scan3A_4 = arith.constant 34 : i32
    %scan3A_5 = arith.addi %scan3A, %scan3A_4 : i32
    %scan3A_6 = arith.constant 1 : i32
    scf.for %scan3A_17 = %scan3A to %scan3A_5 step %scan3A_6  : i32 {
      %mul3A_18 = arith.constant 16 : i32
      %mul3A_19 = arith.muli %scan3A_17, %mul3A_18 : i32
      %get3A = arith.index_cast %mul3A_19 : i32 to index
      %get3A_20 = tpu.vector_load %arg5[%get3A] {strides = array<i32>} : memref<544xi32, #tpu.memory_space<vmem>>, vector<16xi32>,
      %mul3A_21 = arith.constant 16 : i32
      %mul3A_22 = arith.muli %scan3A_17, %mul3A_21 : i32
      %add3A_23 = vector.broadcast %mul3A_22 : i32 to vector<16xi32>
      %add3A_24 = arith.addi %add3A_23, %iota3A : vector<16xi32>
      %convert_element_type3A = arith.sitofp %get3A_20 : vector<16xi32> to vector<16xf32>
      tpu.vector_store_idx %arg6[%add3A_24, %broadcast_in_dim3A_3], %convert_element_type3A : memref<544x128xf32, #tpu.memory_space<vmem>>[vector<16xi32>, vector<16xi32>], vector<16xf32>,
      %eq3A = arith.constant 0 : i32
      %eq3A_25 = vector.broadcast %eq3A : i32 to vector<16xi32>
      %eq3A_26 = arith.cmpi eq, %iota3A, %eq3A_25 : vector<16xi32>
      %jit3A = arith.constant 0 : i32
      %broadcast_in_dim3A_27 = vector.broadcast %jit3A : i32 to vector<16xi32>
      %select_n3A = arith.select %eq3A_26, %get3A_20, %broadcast_in_dim3A_27 : vector<16xi1>, vector<16xi32>
      %reduce_sum3A = arith.constant true
      %reduce_sum3A_28 = vector.broadcast %reduce_sum3A : i1 to vector<16xi1>
      %reduce_sum3A_29 = tpu.scan <sum>, %select_n3A masked %reduce_sum3A_28 : vector<16xi32>, vector<16xi1> -> vector<16xi32>
      %reduce_sum3A_30 = vector.extract %reduce_sum3A_29[15] : i32 from vector<16xi32>
      %shift_right_logical3A = arith.constant 3 : i32
      %shift_right_logical3A_31 = arith.shrui %reduce_sum3A_30, %shift_right_logical3A : i32
      %and3A = arith.constant 7 : i32
      %and3A_32 = arith.andi %reduce_sum3A_30, %and3A : i32
      %mul3A_33 = arith.constant 16 : i32
      %mul3A_34 = arith.muli %scan3A_17, %mul3A_33 : i32
      %add3A_35 = arith.constant 0 : i32
      %add3A_36 = arith.addi %mul3A_34, %add3A_35 : i32
      %dma_start3A = arith.constant 0 : i32
      %dma_start3A_37 = tpu.memref_slice %arg6[%add3A_36, %dma_start3A] : memref<544x128xf32, #tpu.memory_space<vmem>> -> memref<1x64xf32, #tpu.memory_space<vmem>>
      %dma_start3A_38 = tpu.memref_squeeze %dma_start3A_37 : memref<1x64xf32, #tpu.memory_space<vmem>> -> memref<64xf32, #tpu.memory_space<vmem>>
      %dma_start3A_39 = arith.constant 0 : i32
      %dma_start3A_40 = tpu.memref_slice %arg3[%shift_right_logical3A_31, %and3A_32, %dma_start3A_39] : memref<125000x8x64xf32, #tpu.memory_space<hbm>> -> memref<1x1x64xf32, #tpu.memory_space<hbm>>
      %dma_start3A_41 = tpu.memref_squeeze %dma_start3A_40 : memref<1x1x64xf32, #tpu.memory_space<hbm>> -> memref<64xf32, #tpu.memory_space<hbm>>
      %dma_start3A_42 = arith.constant 0 : i32
      %dma_start3A_43 = tpu.memref_slice %arg6[%add3A_36, %dma_start3A_42] : memref<544x128xf32, #tpu.memory_space<vmem>> -> memref<1x64xf32, #tpu.memory_space<vmem>>
      %dma_start3A_44 = tpu.memref_squeeze %dma_start3A_43 : memref<1x64xf32, #tpu.memory_space<vmem>> -> memref<64xf32, #tpu.memory_space<vmem>>
      %dma_start3A_45 = arith.constant 0 : i32
      %dma_start3A_46 = tpu.memref_slice %arg3[%shift_right_logical3A_31, %and3A_32, %dma_start3A_45] : memref<125000x8x64xf32, #tpu.memory_space<hbm>> -> memref<1x1x64xf32, #tpu.memory_space<hbm>>
      %dma_start3A_47 = tpu.memref_squeeze %dma_start3A_46 : memref<1x1x64xf32, #tpu.memory_space<hbm>> -> memref<64xf32, #tpu.memory_space<hbm>>
      tpu.enqueue_dma source(%dma_start3A_47 : memref<64xf32, #tpu.memory_space<hbm>>) target(%dma_start3A_44 : memref<64xf32, #tpu.memory_space<vmem>>) target_semaphore(%arg7 : memref<!tpu.dma_semaphore, #tpu.memory_space<semaphore_mem>>)
      %eq3A_48 = arith.constant 1 : i32
      %eq3A_49 = vector.broadcast %eq3A_48 : i32 to vector<16xi32>
      %eq3A_50 = arith.cmpi eq, %iota3A, %eq3A_49 : vector<16xi32>
      %jit3A_51 = arith.constant 0 : i32
      %broadcast_in_dim3A_52 = vector.broadcast %jit3A_51 : i32 to vector<16xi32>
      %select_n3A_53 = arith.select %eq3A_50, %get3A_20, %broadcast_in_dim3A_52 : vector<16xi1>, vector<16xi32>
      %reduce_sum3A_54 = arith.constant true
      %reduce_sum3A_55 = vector.broadcast %reduce_sum3A_54 : i1 to vector<16xi1>
      %reduce_sum3A_56 = tpu.scan <sum>, %select_n3A_53 masked %reduce_sum3A_55 : vector<16xi32>, vector<16xi1> -> vector<16xi32>
      %reduce_sum3A_57 = vector.extract %reduce_sum3A_56[15] : i32 from vector<16xi32>
      %shift_right_logical3A_58 = arith.constant 3 : i32
      %shift_right_logical3A_59 = arith.shrui %reduce_sum3A_57, %shift_right_logical3A_58 : i32
      %and3A_60 = arith.constant 7 : i32
      %and3A_61 = arith.andi %reduce_sum3A_57, %and3A_60 : i32
      %mul3A_62 = arith.constant 16 : i32
      %mul3A_63 = arith.muli %scan3A_17, %mul3A_62 : i32
      %add3A_64 = arith.constant 1 : i32
      %add3A_65 = arith.addi %mul3A_63, %add3A_64 : i32
      %dma_start3A_66 = arith.constant 0 : i32
      %dma_start3A_67 = tpu.memref_slice %arg6[%add3A_65, %dma_start3A_66] : memref<544x128xf32, #tpu.memory_space<vmem>> -> memref<1x64xf32, #tpu.memory_space<vmem>>
      %dma_start3A_68 = tpu.memref_squeeze %dma_start3A_67 : memref<1x64xf32, #tpu.memory_space<vmem>> -> memref<64xf32, #tpu.memory_space<vmem>>
      %dma_start3A_69 = arith.constant 0 : i32
      %dma_start3A_70 = tpu.memref_slice %arg3[%shift_right_logical3A_59, %and3A_61, %dma_start3A_69] : memref<125000x8x64xf32, #tpu.memory_space<hbm>> -> memref<1x1x64xf32, #tpu.memory_space<hbm>>
      %dma_start3A_71 = tpu.memref_squeeze %dma_start3A_70 : memref<1x1x64xf32, #tpu.memory_space<hbm>> -> memref<64xf32, #tpu.memory_space<hbm>>
      %dma_start3A_72 = arith.constant 0 : i32
      %dma_start3A_73 = tpu.memref_slice %arg6[%add3A_65, %dma_start3A_72] : memref<544x128xf32, #tpu.memory_space<vmem>> -> memref<1x64xf32, #tpu.memory_space<vmem>>
      %dma_start3A_74 = tpu.memref_squeeze %dma_start3A_73 : memref<1x64xf32, #tpu.memory_space<vmem>> -> memref<64xf32, #tpu.memory_space<vmem>>
      %dma_start3A_75 = arith.constant 0 : i32
      %dma_start3A_76 = tpu.memref_slice %arg3[%shift_right_logical3A_59, %and3A_61, %dma_start3A_75] : memref<125000x8x64xf32, #tpu.memory_space<hbm>> -> memref<1x1x64xf32, #tpu.memory_space<hbm>>
      %dma_start3A_77 = tpu.memref_squeeze %dma_start3A_76 : memref<1x1x64xf32, #tpu.memory_space<hbm>> -> memref<64xf32, #tpu.memory_space<hbm>>
      tpu.enqueue_dma source(%dma_start3A_77 : memref<64xf32, #tpu.memory_space<hbm>>) target(%dma_start3A_74 : memref<64xf32, #tpu.memory_space<vmem>>) target_semaphore(%arg7 : memref<!tpu.dma_semaphore, #tpu.memory_space<semaphore_mem>>)
      %eq3A_78 = arith.constant 2 : i32
      %eq3A_79 = vector.broadcast %eq3A_78 : i32 to vector<16xi32>
      %eq3A_80 = arith.cmpi eq, %iota3A, %eq3A_79 : vector<16xi32>
      %jit3A_81 = arith.constant 0 : i32
      %broadcast_in_dim3A_82 = vector.broadcast %jit3A_81 : i32 to vector<16xi32>
      %select_n3A_83 = arith.select %eq3A_80, %get3A_20, %broadcast_in_dim3A_82 : vector<16xi1>, vector<16xi32>
      %reduce_sum3A_84 = arith.constant true
      %reduce_sum3A_85 = vector.broadcast %reduce_sum3A_84 : i1 to vector<16xi1>
      %reduce_sum3A_86 = tpu.scan <sum>, %select_n3A_83 masked %reduce_sum3A_85 : vector<16xi32>, vector<16xi1> -> vector<16xi32>
      %reduce_sum3A_87 = vector.extract %reduce_sum3A_86[15] : i32 from vector<16xi32>
      %shift_right_logical3A_88 = arith.constant 3 : i32
      %shift_right_logical3A_89 = arith.shrui %reduce_sum3A_87, %shift_right_logical3A_88 : i32
      %and3A_90 = arith.constant 7 : i32
      %and3A_91 = arith.andi %reduce_sum3A_87, %and3A_90 : i32
      %mul3A_92 = arith.constant 16 : i32
      %mul3A_93 = arith.muli %scan3A_17, %mul3A_92 : i32
      %add3A_94 = arith.constant 2 : i32
      %add3A_95 = arith.addi %mul3A_93, %add3A_94 : i32
      %dma_start3A_96 = arith.constant 0 : i32
      %dma_start3A_97 = tpu.memref_slice %arg6[%add3A_95, %dma_start3A_96] : memref<544x128xf32, #tpu.memory_space<vmem>> -> memref<1x64xf32, #tpu.memory_space<vmem>>
      %dma_start3A_98 = tpu.memref_squeeze %dma_start3A_97 : memref<1x64xf32, #tpu.memory_space<vmem>> -> memref<64xf32, #tpu.memory_space<vmem>>
      %dma_start3A_99 = arith.constant 0 : i32
      %dma_start3A_100 = tpu.memref_slice %arg3[%shift_right_logical3A_89, %and3A_91, %dma_start3A_99] : memref<125000x8x64xf32, #tpu.memory_space<hbm>> -> memref<1x1x64xf32, #tpu.memory_space<hbm>>
      %dma_start3A_101 = tpu.memref_squeeze %dma_start3A_100 : memref<1x1x64xf32, #tpu.memory_space<hbm>> -> memref<64xf32, #tpu.memory_space<hbm>>
      %dma_start3A_102 = arith.constant 0 : i32
      %dma_start3A_103 = tpu.memref_slice %arg6[%add3A_95, %dma_start3A_102] : memref<544x128xf32, #tpu.memory_space<vmem>> -> memref<1x64xf32, #tpu.memory_space<vmem>>
      %dma_start3A_104 = tpu.memref_squeeze %dma_start3A_103 : memref<1x64xf32, #tpu.memory_space<vmem>> -> memref<64xf32, #tpu.memory_space<vmem>>
      %dma_start3A_105 = arith.constant 0 : i32
      %dma_start3A_106 = tpu.memref_slice %arg3[%shift_right_logical3A_89, %and3A_91, %dma_start3A_105] : memref<125000x8x64xf32, #tpu.memory_space<hbm>> -> memref<1x1x64xf32, #tpu.memory_space<hbm>>
      %dma_start3A_107 = tpu.memref_squeeze %dma_start3A_106 : memref<1x1x64xf32, #tpu.memory_space<hbm>> -> memref<64xf32, #tpu.memory_space<hbm>>
      tpu.enqueue_dma source(%dma_start3A_107 : memref<64xf32, #tpu.memory_space<hbm>>) target(%dma_start3A_104 : memref<64xf32, #tpu.memory_space<vmem>>) target_semaphore(%arg7 : memref<!tpu.dma_semaphore, #tpu.memory_space<semaphore_mem>>)
      %eq3A_108 = arith.constant 3 : i32
      %eq3A_109 = vector.broadcast %eq3A_108 : i32 to vector<16xi32>
      %eq3A_110 = arith.cmpi eq, %iota3A, %eq3A_109 : vector<16xi32>
      %jit3A_111 = arith.constant 0 : i32
      %broadcast_in_dim3A_112 = vector.broadcast %jit3A_111 : i32 to vector<16xi32>
      %select_n3A_113 = arith.select %eq3A_110, %get3A_20, %broadcast_in_dim3A_112 : vector<16xi1>, vector<16xi32>
      %reduce_sum3A_114 = arith.constant true
      %reduce_sum3A_115 = vector.broadcast %reduce_sum3A_114 : i1 to vector<16xi1>
      %reduce_sum3A_116 = tpu.scan <sum>, %select_n3A_113 masked %reduce_sum3A_115 : vector<16xi32>, vector<16xi1> -> vector<16xi32>
      %reduce_sum3A_117 = vector.extract %reduce_sum3A_116[15] : i32 from vector<16xi32>
      %shift_right_logical3A_118 = arith.constant 3 : i32
      %shift_right_logical3A_119 = arith.shrui %reduce_sum3A_117, %shift_right_logical3A_118 : i32
      %and3A_120 = arith.constant 7 : i32
      %and3A_121 = arith.andi %reduce_sum3A_117, %and3A_120 : i32
      %mul3A_122 = arith.constant 16 : i32
      %mul3A_123 = arith.muli %scan3A_17, %mul3A_122 : i32
      %add3A_124 = arith.constant 3 : i32
      %add3A_125 = arith.addi %mul3A_123, %add3A_124 : i32
      %dma_start3A_126 = arith.constant 0 : i32
      %dma_start3A_127 = tpu.memref_slice %arg6[%add3A_125, %dma_start3A_126] : memref<544x128xf32, #tpu.memory_space<vmem>> -> memref<1x64xf32, #tpu.memory_space<vmem>>
      %dma_start3A_128 = tpu.memref_squeeze %dma_start3A_127 : memref<1x64xf32, #tpu.memory_space<vmem>> -> memref<64xf32, #tpu.memory_space<vmem>>
      %dma_start3A_129 = arith.constant 0 : i32
      %dma_start3A_130 = tpu.memref_slice %arg3[%shift_right_logical3A_119, %and3A_121, %dma_start3A_129] : memref<125000x8x64xf32, #tpu.memory_space<hbm>> -> memref<1x1x64xf32, #tpu.memory_space<hbm>>
      %dma_start3A_131 = tpu.memref_squeeze %dma_start3A_130 : memref<1x1x64xf32, #tpu.memory_space<hbm>> -> memref<64xf32, #tpu.memory_space<hbm>>
      %dma_start3A_132 = arith.constant 0 : i32
      %dma_start3A_133 = tpu.memref_slice %arg6[%add3A_125, %dma_start3A_132] : memref<544x128xf32, #tpu.memory_space<vmem>> -> memref<1x64xf32, #tpu.memory_space<vmem>>
      %dma_start3A_134 = tpu.memref_squeeze %dma_start3A_133 : memref<1x64xf32, #tpu.memory_space<vmem>> -> memref<64xf32, #tpu.memory_space<vmem>>
      %dma_start3A_135 = arith.constant 0 : i32
      %dma_start3A_136 = tpu.memref_slice %arg3[%shift_right_logical3A_119, %and3A_121, %dma_start3A_135] : memref<125000x8x64xf32, #tpu.memory_space<hbm>> -> memref<1x1x64xf32, #tpu.memory_space<hbm>>
      %dma_start3A_137 = tpu.memref_squeeze %dma_start3A_136 : memref<1x1x64xf32, #tpu.memory_space<hbm>> -> memref<64xf32, #tpu.memory_space<hbm>>
      tpu.enqueue_dma source(%dma_start3A_137 : memref<64xf32, #tpu.memory_space<hbm>>) target(%dma_start3A_134 : memref<64xf32, #tpu.memory_space<vmem>>) target_semaphore(%arg7 : memref<!tpu.dma_semaphore, #tpu.memory_space<semaphore_mem>>)
      %eq3A_138 = arith.constant 4 : i32
      %eq3A_139 = vector.broadcast %eq3A_138 : i32 to vector<16xi32>
      %eq3A_140 = arith.cmpi eq, %iota3A, %eq3A_139 : vector<16xi32>
      %jit3A_141 = arith.constant 0 : i32
      %broadcast_in_dim3A_142 = vector.broadcast %jit3A_141 : i32 to vector<16xi32>
      %select_n3A_143 = arith.select %eq3A_140, %get3A_20, %broadcast_in_dim3A_142 : vector<16xi1>, vector<16xi32>
      %reduce_sum3A_144 = arith.constant true
      %reduce_sum3A_145 = vector.broadcast %reduce_sum3A_144 : i1 to vector<16xi1>
      %reduce_sum3A_146 = tpu.scan <sum>, %select_n3A_143 masked %reduce_sum3A_145 : vector<16xi32>, vector<16xi1> -> vector<16xi32>
      %reduce_sum3A_147 = vector.extract %reduce_sum3A_146[15] : i32 from vector<16xi32>
      %shift_right_logical3A_148 = arith.constant 3 : i32
      %shift_right_logical3A_149 = arith.shrui %reduce_sum3A_147, %shift_right_logical3A_148 : i32
      %and3A_150 = arith.constant 7 : i32
      %and3A_151 = arith.andi %reduce_sum3A_147, %and3A_150 : i32
      %mul3A_152 = arith.constant 16 : i32
      %mul3A_153 = arith.muli %scan3A_17, %mul3A_152 : i32
      %add3A_154 = arith.constant 4 : i32
      %add3A_155 = arith.addi %mul3A_153, %add3A_154 : i32
      %dma_start3A_156 = arith.constant 0 : i32
      %dma_start3A_157 = tpu.memref_slice %arg6[%add3A_155, %dma_start3A_156] : memref<544x128xf32, #tpu.memory_space<vmem>> -> memref<1x64xf32, #tpu.memory_space<vmem>>
      %dma_start3A_158 = tpu.memref_squeeze %dma_start3A_157 : memref<1x64xf32, #tpu.memory_space<vmem>> -> memref<64xf32, #tpu.memory_space<vmem>>
      %dma_start3A_159 = arith.constant 0 : i32
      %dma_start3A_160 = tpu.memref_slice %arg3[%shift_right_logical3A_149, %and3A_151, %dma_start3A_159] : memref<125000x8x64xf32, #tpu.memory_space<hbm>> -> memref<1x1x64xf32, #tpu.memory_space<hbm>>
      %dma_start3A_161 = tpu.memref_squeeze %dma_start3A_160 : memref<1x1x64xf32, #tpu.memory_space<hbm>> -> memref<64xf32, #tpu.memory_space<hbm>>
      %dma_start3A_162 = arith.constant 0 : i32
      %dma_start3A_163 = tpu.memref_slice %arg6[%add3A_155, %dma_start3A_162] : memref<544x128xf32, #tpu.memory_space<vmem>> -> memref<1x64xf32, #tpu.memory_space<vmem>>
      %dma_start3A_164 = tpu.memref_squeeze %dma_start3A_163 : memref<1x64xf32, #tpu.memory_space<vmem>> -> memref<64xf32, #tpu.memory_space<vmem>>
      %dma_start3A_165 = arith.constant 0 : i32
      %dma_start3A_166 = tpu.memref_slice %arg3[%shift_right_logical3A_149, %and3A_151, %dma_start3A_165] : memref<125000x8x64xf32, #tpu.memory_space<hbm>> -> memref<1x1x64xf32, #tpu.memory_space<hbm>>
      %dma_start3A_167 = tpu.memref_squeeze %dma_start3A_166 : memref<1x1x64xf32, #tpu.memory_space<hbm>> -> memref<64xf32, #tpu.memory_space<hbm>>
      tpu.enqueue_dma source(%dma_start3A_167 : memref<64xf32, #tpu.memory_space<hbm>>) target(%dma_start3A_164 : memref<64xf32, #tpu.memory_space<vmem>>) target_semaphore(%arg7 : memref<!tpu.dma_semaphore, #tpu.memory_space<semaphore_mem>>)
      %eq3A_168 = arith.constant 5 : i32
      %eq3A_169 = vector.broadcast %eq3A_168 : i32 to vector<16xi32>
      %eq3A_170 = arith.cmpi eq, %iota3A, %eq3A_169 : vector<16xi32>
      %jit3A_171 = arith.constant 0 : i32
      %broadcast_in_dim3A_172 = vector.broadcast %jit3A_171 : i32 to vector<16xi32>
      %select_n3A_173 = arith.select %eq3A_170, %get3A_20, %broadcast_in_dim3A_172 : vector<16xi1>, vector<16xi32>
      %reduce_sum3A_174 = arith.constant true
      %reduce_sum3A_175 = vector.broadcast %reduce_sum3A_174 : i1 to vector<16xi1>
      %reduce_sum3A_176 = tpu.scan <sum>, %select_n3A_173 masked %reduce_sum3A_175 : vector<16xi32>, vector<16xi1> -> vector<16xi32>
      %reduce_sum3A_177 = vector.extract %reduce_sum3A_176[15] : i32 from vector<16xi32>
      %shift_right_logical3A_178 = arith.constant 3 : i32
      %shift_right_logical3A_179 = arith.shrui %reduce_sum3A_177, %shift_right_logical3A_178 : i32
      %and3A_180 = arith.constant 7 : i32
      %and3A_181 = arith.andi %reduce_sum3A_177, %and3A_180 : i32
      %mul3A_182 = arith.constant 16 : i32
      %mul3A_183 = arith.muli %scan3A_17, %mul3A_182 : i32
      %add3A_184 = arith.constant 5 : i32
      %add3A_185 = arith.addi %mul3A_183, %add3A_184 : i32
      %dma_start3A_186 = arith.constant 0 : i32
      %dma_start3A_187 = tpu.memref_slice %arg6[%add3A_185, %dma_start3A_186] : memref<544x128xf32, #tpu.memory_space<vmem>> -> memref<1x64xf32, #tpu.memory_space<vmem>>
      %dma_start3A_188 = tpu.memref_squeeze %dma_start3A_187 : memref<1x64xf32, #tpu.memory_space<vmem>> -> memref<64xf32, #tpu.memory_space<vmem>>
      %dma_start3A_189 = arith.constant 0 : i32
      %dma_start3A_190 = tpu.memref_slice %arg3[%shift_right_logical3A_179, %and3A_181, %dma_start3A_189] : memref<125000x8x64xf32, #tpu.memory_space<hbm>> -> memref<1x1x64xf32, #tpu.memory_space<hbm>>
      %dma_start3A_191 = tpu.memref_squeeze %dma_start3A_190 : memref<1x1x64xf32, #tpu.memory_space<hbm>> -> memref<64xf32, #tpu.memory_space<hbm>>
      %dma_start3A_192 = arith.constant 0 : i32
      %dma_start3A_193 = tpu.memref_slice %arg6[%add3A_185, %dma_start3A_192] : memref<544x128xf32, #tpu.memory_space<vmem>> -> memref<1x64xf32, #tpu.memory_space<vmem>>
      %dma_start3A_194 = tpu.memref_squeeze %dma_start3A_193 : memref<1x64xf32, #tpu.memory_space<vmem>> -> memref<64xf32, #tpu.memory_space<vmem>>
      %dma_start3A_195 = arith.constant 0 : i32
      %dma_start3A_196 = tpu.memref_slice %arg3[%shift_right_logical3A_179, %and3A_181, %dma_start3A_195] : memref<125000x8x64xf32, #tpu.memory_space<hbm>> -> memref<1x1x64xf32, #tpu.memory_space<hbm>>
      %dma_start3A_197 = tpu.memref_squeeze %dma_start3A_196 : memref<1x1x64xf32, #tpu.memory_space<hbm>> -> memref<64xf32, #tpu.memory_space<hbm>>
      tpu.enqueue_dma source(%dma_start3A_197 : memref<64xf32, #tpu.memory_space<hbm>>) target(%dma_start3A_194 : memref<64xf32, #tpu.memory_space<vmem>>) target_semaphore(%arg7 : memref<!tpu.dma_semaphore, #tpu.memory_space<semaphore_mem>>)
      %eq3A_198 = arith.constant 6 : i32
      %eq3A_199 = vector.broadcast %eq3A_198 : i32 to vector<16xi32>
      %eq3A_200 = arith.cmpi eq, %iota3A, %eq3A_199 : vector<16xi32>
      %jit3A_201 = arith.constant 0 : i32
      %broadcast_in_dim3A_202 = vector.broadcast %jit3A_201 : i32 to vector<16xi32>
      %select_n3A_203 = arith.select %eq3A_200, %get3A_20, %broadcast_in_dim3A_202 : vector<16xi1>, vector<16xi32>
      %reduce_sum3A_204 = arith.constant true
      %reduce_sum3A_205 = vector.broadcast %reduce_sum3A_204 : i1 to vector<16xi1>
      %reduce_sum3A_206 = tpu.scan <sum>, %select_n3A_203 masked %reduce_sum3A_205 : vector<16xi32>, vector<16xi1> -> vector<16xi32>
      %reduce_sum3A_207 = vector.extract %reduce_sum3A_206[15] : i32 from vector<16xi32>
      %shift_right_logical3A_208 = arith.constant 3 : i32
      %shift_right_logical3A_209 = arith.shrui %reduce_sum3A_207, %shift_right_logical3A_208 : i32
      %and3A_210 = arith.constant 7 : i32
      %and3A_211 = arith.andi %reduce_sum3A_207, %and3A_210 : i32
      %mul3A_212 = arith.constant 16 : i32
      %mul3A_213 = arith.muli %scan3A_17, %mul3A_212 : i32
      %add3A_214 = arith.constant 6 : i32
      %add3A_215 = arith.addi %mul3A_213, %add3A_214 : i32
      %dma_start3A_216 = arith.constant 0 : i32
      %dma_start3A_217 = tpu.memref_slice %arg6[%add3A_215, %dma_start3A_216] : memref<544x128xf32, #tpu.memory_space<vmem>> -> memref<1x64xf32, #tpu.memory_space<vmem>>
      %dma_start3A_218 = tpu.memref_squeeze %dma_start3A_217 : memref<1x64xf32, #tpu.memory_space<vmem>> -> memref<64xf32, #tpu.memory_space<vmem>>
      %dma_start3A_219 = arith.constant 0 : i32
      %dma_start3A_220 = tpu.memref_slice %arg3[%shift_right_logical3A_209, %and3A_211, %dma_start3A_219] : memref<125000x8x64xf32, #tpu.memory_space<hbm>> -> memref<1x1x64xf32, #tpu.memory_space<hbm>>
      %dma_start3A_221 = tpu.memref_squeeze %dma_start3A_220 : memref<1x1x64xf32, #tpu.memory_space<hbm>> -> memref<64xf32, #tpu.memory_space<hbm>>
      %dma_start3A_222 = arith.constant 0 : i32
      %dma_start3A_223 = tpu.memref_slice %arg6[%add3A_215, %dma_start3A_222] : memref<544x128xf32, #tpu.memory_space<vmem>> -> memref<1x64xf32, #tpu.memory_space<vmem>>
      %dma_start3A_224 = tpu.memref_squeeze %dma_start3A_223 : memref<1x64xf32, #tpu.memory_space<vmem>> -> memref<64xf32, #tpu.memory_space<vmem>>
      %dma_start3A_225 = arith.constant 0 : i32
      %dma_start3A_226 = tpu.memref_slice %arg3[%shift_right_logical3A_209, %and3A_211, %dma_start3A_225] : memref<125000x8x64xf32, #tpu.memory_space<hbm>> -> memref<1x1x64xf32, #tpu.memory_space<hbm>>
      %dma_start3A_227 = tpu.memref_squeeze %dma_start3A_226 : memref<1x1x64xf32, #tpu.memory_space<hbm>> -> memref<64xf32, #tpu.memory_space<hbm>>
      tpu.enqueue_dma source(%dma_start3A_227 : memref<64xf32, #tpu.memory_space<hbm>>) target(%dma_start3A_224 : memref<64xf32, #tpu.memory_space<vmem>>) target_semaphore(%arg7 : memref<!tpu.dma_semaphore, #tpu.memory_space<semaphore_mem>>)
      %eq3A_228 = arith.constant 7 : i32
      %eq3A_229 = vector.broadcast %eq3A_228 : i32 to vector<16xi32>
      %eq3A_230 = arith.cmpi eq, %iota3A, %eq3A_229 : vector<16xi32>
      %jit3A_231 = arith.constant 0 : i32
      %broadcast_in_dim3A_232 = vector.broadcast %jit3A_231 : i32 to vector<16xi32>
      %select_n3A_233 = arith.select %eq3A_230, %get3A_20, %broadcast_in_dim3A_232 : vector<16xi1>, vector<16xi32>
      %reduce_sum3A_234 = arith.constant true
      %reduce_sum3A_235 = vector.broadcast %reduce_sum3A_234 : i1 to vector<16xi1>
      %reduce_sum3A_236 = tpu.scan <sum>, %select_n3A_233 masked %reduce_sum3A_235 : vector<16xi32>, vector<16xi1> -> vector<16xi32>
      %reduce_sum3A_237 = vector.extract %reduce_sum3A_236[15] : i32 from vector<16xi32>
      %shift_right_logical3A_238 = arith.constant 3 : i32
      %shift_right_logical3A_239 = arith.shrui %reduce_sum3A_237, %shift_right_logical3A_238 : i32
      %and3A_240 = arith.constant 7 : i32
      %and3A_241 = arith.andi %reduce_sum3A_237, %and3A_240 : i32
      %mul3A_242 = arith.constant 16 : i32
      %mul3A_243 = arith.muli %scan3A_17, %mul3A_242 : i32
      %add3A_244 = arith.constant 7 : i32
      %add3A_245 = arith.addi %mul3A_243, %add3A_244 : i32
      %dma_start3A_246 = arith.constant 0 : i32
      %dma_start3A_247 = tpu.memref_slice %arg6[%add3A_245, %dma_start3A_246] : memref<544x128xf32, #tpu.memory_space<vmem>> -> memref<1x64xf32, #tpu.memory_space<vmem>>
      %dma_start3A_248 = tpu.memref_squeeze %dma_start3A_247 : memref<1x64xf32, #tpu.memory_space<vmem>> -> memref<64xf32, #tpu.memory_space<vmem>>
      %dma_start3A_249 = arith.constant 0 : i32
      %dma_start3A_250 = tpu.memref_slice %arg3[%shift_right_logical3A_239, %and3A_241, %dma_start3A_249] : memref<125000x8x64xf32, #tpu.memory_space<hbm>> -> memref<1x1x64xf32, #tpu.memory_space<hbm>>
      %dma_start3A_251 = tpu.memref_squeeze %dma_start3A_250 : memref<1x1x64xf32, #tpu.memory_space<hbm>> -> memref<64xf32, #tpu.memory_space<hbm>>
      %dma_start3A_252 = arith.constant 0 : i32
      %dma_start3A_253 = tpu.memref_slice %arg6[%add3A_245, %dma_start3A_252] : memref<544x128xf32, #tpu.memory_space<vmem>> -> memref<1x64xf32, #tpu.memory_space<vmem>>
      %dma_start3A_254 = tpu.memref_squeeze %dma_start3A_253 : memref<1x64xf32, #tpu.memory_space<vmem>> -> memref<64xf32, #tpu.memory_space<vmem>>
      %dma_start3A_255 = arith.constant 0 : i32
      %dma_start3A_256 = tpu.memref_slice %arg3[%shift_right_logical3A_239, %and3A_241, %dma_start3A_255] : memref<125000x8x64xf32, #tpu.memory_space<hbm>> -> memref<1x1x64xf32, #tpu.memory_space<hbm>>
      %dma_start3A_257 = tpu.memref_squeeze %dma_start3A_256 : memref<1x1x64xf32, #tpu.memory_space<hbm>> -> memref<64xf32, #tpu.memory_space<hbm>>
      tpu.enqueue_dma source(%dma_start3A_257 : memref<64xf32, #tpu.memory_space<hbm>>) target(%dma_start3A_254 : memref<64xf32, #tpu.memory_space<vmem>>) target_semaphore(%arg7 : memref<!tpu.dma_semaphore, #tpu.memory_space<semaphore_mem>>)
      %eq3A_258 = arith.constant 8 : i32
      %eq3A_259 = vector.broadcast %eq3A_258 : i32 to vector<16xi32>
      %eq3A_260 = arith.cmpi eq, %iota3A, %eq3A_259 : vector<16xi32>
      %jit3A_261 = arith.constant 0 : i32
      %broadcast_in_dim3A_262 = vector.broadcast %jit3A_261 : i32 to vector<16xi32>
      %select_n3A_263 = arith.select %eq3A_260, %get3A_20, %broadcast_in_dim3A_262 : vector<16xi1>, vector<16xi32>
      %reduce_sum3A_264 = arith.constant true
      %reduce_sum3A_265 = vector.broadcast %reduce_sum3A_264 : i1 to vector<16xi1>
      %reduce_sum3A_266 = tpu.scan <sum>, %select_n3A_263 masked %reduce_sum3A_265 : vector<16xi32>, vector<16xi1> -> vector<16xi32>
      %reduce_sum3A_267 = vector.extract %reduce_sum3A_266[15] : i32 from vector<16xi32>
      %shift_right_logical3A_268 = arith.constant 3 : i32
      %shift_right_logical3A_269 = arith.shrui %reduce_sum3A_267, %shift_right_logical3A_268 : i32
      %and3A_270 = arith.constant 7 : i32
      %and3A_271 = arith.andi %reduce_sum3A_267, %and3A_270 : i32
      %mul3A_272 = arith.constant 16 : i32
      %mul3A_273 = arith.muli %scan3A_17, %mul3A_272 : i32
      %add3A_274 = arith.constant 8 : i32
      %add3A_275 = arith.addi %mul3A_273, %add3A_274 : i32
      %dma_start3A_276 = arith.constant 0 : i32
      %dma_start3A_277 = tpu.memref_slice %arg6[%add3A_275, %dma_start3A_276] : memref<544x128xf32, #tpu.memory_space<vmem>> -> memref<1x64xf32, #tpu.memory_space<vmem>>
      %dma_start3A_278 = tpu.memref_squeeze %dma_start3A_277 : memref<1x64xf32, #tpu.memory_space<vmem>> -> memref<64xf32, #tpu.memory_space<vmem>>
      %dma_start3A_279 = arith.constant 0 : i32
      %dma_start3A_280 = tpu.memref_slice %arg3[%shift_right_logical3A_269, %and3A_271, %dma_start3A_279] : memref<125000x8x64xf32, #tpu.memory_space<hbm>> -> memref<1x1x64xf32, #tpu.memory_space<hbm>>
      %dma_start3A_281 = tpu.memref_squeeze %dma_start3A_280 : memref<1x1x64xf32, #tpu.memory_space<hbm>> -> memref<64xf32, #tpu.memory_space<hbm>>
      %dma_start3A_282 = arith.constant 0 : i32
      %dma_start3A_283 = tpu.memref_slice %arg6[%add3A_275, %dma_start3A_282] : memref<544x128xf32, #tpu.memory_space<vmem>> -> memref<1x64xf32, #tpu.memory_space<vmem>>
      %dma_start3A_284 = tpu.memref_squeeze %dma_start3A_283 : memref<1x64xf32, #tpu.memory_space<vmem>> -> memref<64xf32, #tpu.memory_space<vmem>>
      %dma_start3A_285 = arith.constant 0 : i32
      %dma_start3A_286 = tpu.memref_slice %arg3[%shift_right_logical3A_269, %and3A_271, %dma_start3A_285] : memref<125000x8x64xf32, #tpu.memory_space<hbm>> -> memref<1x1x64xf32, #tpu.memory_space<hbm>>
      %dma_start3A_287 = tpu.memref_squeeze %dma_start3A_286 : memref<1x1x64xf32, #tpu.memory_space<hbm>> -> memref<64xf32, #tpu.memory_space<hbm>>
      tpu.enqueue_dma source(%dma_start3A_287 : memref<64xf32, #tpu.memory_space<hbm>>) target(%dma_start3A_284 : memref<64xf32, #tpu.memory_space<vmem>>) target_semaphore(%arg7 : memref<!tpu.dma_semaphore, #tpu.memory_space<semaphore_mem>>)
      %eq3A_288 = arith.constant 9 : i32
      %eq3A_289 = vector.broadcast %eq3A_288 : i32 to vector<16xi32>
      %eq3A_290 = arith.cmpi eq, %iota3A, %eq3A_289 : vector<16xi32>
      %jit3A_291 = arith.constant 0 : i32
      %broadcast_in_dim3A_292 = vector.broadcast %jit3A_291 : i32 to vector<16xi32>
      %select_n3A_293 = arith.select %eq3A_290, %get3A_20, %broadcast_in_dim3A_292 : vector<16xi1>, vector<16xi32>
      %reduce_sum3A_294 = arith.constant true
      %reduce_sum3A_295 = vector.broadcast %reduce_sum3A_294 : i1 to vector<16xi1>
      %reduce_sum3A_296 = tpu.scan <sum>, %select_n3A_293 masked %reduce_sum3A_295 : vector<16xi32>, vector<16xi1> -> vector<16xi32>
      %reduce_sum3A_297 = vector.extract %reduce_sum3A_296[15] : i32 from vector<16xi32>
      %shift_right_logical3A_298 = arith.constant 3 : i32
      %shift_right_logical3A_299 = arith.shrui %reduce_sum3A_297, %shift_right_logical3A_298 : i32
      %and3A_300 = arith.constant 7 : i32
      %and3A_301 = arith.andi %reduce_sum3A_297, %and3A_300 : i32
      %mul3A_302 = arith.constant 16 : i32
      %mul3A_303 = arith.muli %scan3A_17, %mul3A_302 : i32
      %add3A_304 = arith.constant 9 : i32
      %add3A_305 = arith.addi %mul3A_303, %add3A_304 : i32
      %dma_start3A_306 = arith.constant 0 : i32
      %dma_start3A_307 = tpu.memref_slice %arg6[%add3A_305, %dma_start3A_306] : memref<544x128xf32, #tpu.memory_space<vmem>> -> memref<1x64xf32, #tpu.memory_space<vmem>>
      %dma_start3A_308 = tpu.memref_squeeze %dma_start3A_307 : memref<1x64xf32, #tpu.memory_space<vmem>> -> memref<64xf32, #tpu.memory_space<vmem>>
      %dma_start3A_309 = arith.constant 0 : i32
      %dma_start3A_310 = tpu.memref_slice %arg3[%shift_right_logical3A_299, %and3A_301, %dma_start3A_309] : memref<125000x8x64xf32, #tpu.memory_space<hbm>> -> memref<1x1x64xf32, #tpu.memory_space<hbm>>
      %dma_start3A_311 = tpu.memref_squeeze %dma_start3A_310 : memref<1x1x64xf32, #tpu.memory_space<hbm>> -> memref<64xf32, #tpu.memory_space<hbm>>
      %dma_start3A_312 = arith.constant 0 : i32
      %dma_start3A_313 = tpu.memref_slice %arg6[%add3A_305, %dma_start3A_312] : memref<544x128xf32, #tpu.memory_space<vmem>> -> memref<1x64xf32, #tpu.memory_space<vmem>>
      %dma_start3A_314 = tpu.memref_squeeze %dma_start3A_313 : memref<1x64xf32, #tpu.memory_space<vmem>> -> memref<64xf32, #tpu.memory_space<vmem>>
      %dma_start3A_315 = arith.constant 0 : i32
      %dma_start3A_316 = tpu.memref_slice %arg3[%shift_right_logical3A_299, %and3A_301, %dma_start3A_315] : memref<125000x8x64xf32, #tpu.memory_space<hbm>> -> memref<1x1x64xf32, #tpu.memory_space<hbm>>
      %dma_start3A_317 = tpu.memref_squeeze %dma_start3A_316 : memref<1x1x64xf32, #tpu.memory_space<hbm>> -> memref<64xf32, #tpu.memory_space<hbm>>
      tpu.enqueue_dma source(%dma_start3A_317 : memref<64xf32, #tpu.memory_space<hbm>>) target(%dma_start3A_314 : memref<64xf32, #tpu.memory_space<vmem>>) target_semaphore(%arg7 : memref<!tpu.dma_semaphore, #tpu.memory_space<semaphore_mem>>)
      %eq3A_318 = arith.constant 10 : i32
      %eq3A_319 = vector.broadcast %eq3A_318 : i32 to vector<16xi32>
      %eq3A_320 = arith.cmpi eq, %iota3A, %eq3A_319 : vector<16xi32>
      %jit3A_321 = arith.constant 0 : i32
      %broadcast_in_dim3A_322 = vector.broadcast %jit3A_321 : i32 to vector<16xi32>
      %select_n3A_323 = arith.select %eq3A_320, %get3A_20, %broadcast_in_dim3A_322 : vector<16xi1>, vector<16xi32>
      %reduce_sum3A_324 = arith.constant true
      %reduce_sum3A_325 = vector.broadcast %reduce_sum3A_324 : i1 to vector<16xi1>
      %reduce_sum3A_326 = tpu.scan <sum>, %select_n3A_323 masked %reduce_sum3A_325 : vector<16xi32>, vector<16xi1> -> vector<16xi32>
      %reduce_sum3A_327 = vector.extract %reduce_sum3A_326[15] : i32 from vector<16xi32>
      %shift_right_logical3A_328 = arith.constant 3 : i32
      %shift_right_logical3A_329 = arith.shrui %reduce_sum3A_327, %shift_right_logical3A_328 : i32
      %and3A_330 = arith.constant 7 : i32
      %and3A_331 = arith.andi %reduce_sum3A_327, %and3A_330 : i32
      %mul3A_332 = arith.constant 16 : i32
      %mul3A_333 = arith.muli %scan3A_17, %mul3A_332 : i32
      %add3A_334 = arith.constant 10 : i32
      %add3A_335 = arith.addi %mul3A_333, %add3A_334 : i32
      %dma_start3A_336 = arith.constant 0 : i32
      %dma_start3A_337 = tpu.memref_slice %arg6[%add3A_335, %dma_start3A_336] : memref<544x128xf32, #tpu.memory_space<vmem>> -> memref<1x64xf32, #tpu.memory_space<vmem>>
      %dma_start3A_338 = tpu.memref_squeeze %dma_start3A_337 : memref<1x64xf32, #tpu.memory_space<vmem>> -> memref<64xf32, #tpu.memory_space<vmem>>
      %dma_start3A_339 = arith.constant 0 : i32
      %dma_start3A_340 = tpu.memref_slice %arg3[%shift_right_logical3A_329, %and3A_331, %dma_start3A_339] : memref<125000x8x64xf32, #tpu.memory_space<hbm>> -> memref<1x1x64xf32, #tpu.memory_space<hbm>>
      %dma_start3A_341 = tpu.memref_squeeze %dma_start3A_340 : memref<1x1x64xf32, #tpu.memory_space<hbm>> -> memref<64xf32, #tpu.memory_space<hbm>>
      %dma_start3A_342 = arith.constant 0 : i32
      %dma_start3A_343 = tpu.memref_slice %arg6[%add3A_335, %dma_start3A_342] : memref<544x128xf32, #tpu.memory_space<vmem>> -> memref<1x64xf32, #tpu.memory_space<vmem>>
      %dma_start3A_344 = tpu.memref_squeeze %dma_start3A_343 : memref<1x64xf32, #tpu.memory_space<vmem>> -> memref<64xf32, #tpu.memory_space<vmem>>
      %dma_start3A_345 = arith.constant 0 : i32
      %dma_start3A_346 = tpu.memref_slice %arg3[%shift_right_logical3A_329, %and3A_331, %dma_start3A_345] : memref<125000x8x64xf32, #tpu.memory_space<hbm>> -> memref<1x1x64xf32, #tpu.memory_space<hbm>>
      %dma_start3A_347 = tpu.memref_squeeze %dma_start3A_346 : memref<1x1x64xf32, #tpu.memory_space<hbm>> -> memref<64xf32, #tpu.memory_space<hbm>>
      tpu.enqueue_dma source(%dma_start3A_347 : memref<64xf32, #tpu.memory_space<hbm>>) target(%dma_start3A_344 : memref<64xf32, #tpu.memory_space<vmem>>) target_semaphore(%arg7 : memref<!tpu.dma_semaphore, #tpu.memory_space<semaphore_mem>>)
      %eq3A_348 = arith.constant 11 : i32
      %eq3A_349 = vector.broadcast %eq3A_348 : i32 to vector<16xi32>
      %eq3A_350 = arith.cmpi eq, %iota3A, %eq3A_349 : vector<16xi32>
      %jit3A_351 = arith.constant 0 : i32
      %broadcast_in_dim3A_352 = vector.broadcast %jit3A_351 : i32 to vector<16xi32>
      %select_n3A_353 = arith.select %eq3A_350, %get3A_20, %broadcast_in_dim3A_352 : vector<16xi1>, vector<16xi32>
      %reduce_sum3A_354 = arith.constant true
      %reduce_sum3A_355 = vector.broadcast %reduce_sum3A_354 : i1 to vector<16xi1>
      %reduce_sum3A_356 = tpu.scan <sum>, %select_n3A_353 masked %reduce_sum3A_355 : vector<16xi32>, vector<16xi1> -> vector<16xi32>
      %reduce_sum3A_357 = vector.extract %reduce_sum3A_356[15] : i32 from vector<16xi32>
      %shift_right_logical3A_358 = arith.constant 3 : i32
      %shift_right_logical3A_359 = arith.shrui %reduce_sum3A_357, %shift_right_logical3A_358 : i32
      %and3A_360 = arith.constant 7 : i32
      %and3A_361 = arith.andi %reduce_sum3A_357, %and3A_360 : i32
      %mul3A_362 = arith.constant 16 : i32
      %mul3A_363 = arith.muli %scan3A_17, %mul3A_362 : i32
      %add3A_364 = arith.constant 11 : i32
      %add3A_365 = arith.addi %mul3A_363, %add3A_364 : i32
      %dma_start3A_366 = arith.constant 0 : i32
      %dma_start3A_367 = tpu.memref_slice %arg6[%add3A_365, %dma_start3A_366] : memref<544x128xf32, #tpu.memory_space<vmem>> -> memref<1x64xf32, #tpu.memory_space<vmem>>
      %dma_start3A_368 = tpu.memref_squeeze %dma_start3A_367 : memref<1x64xf32, #tpu.memory_space<vmem>> -> memref<64xf32, #tpu.memory_space<vmem>>
      %dma_start3A_369 = arith.constant 0 : i32
      %dma_start3A_370 = tpu.memref_slice %arg3[%shift_right_logical3A_359, %and3A_361, %dma_start3A_369] : memref<125000x8x64xf32, #tpu.memory_space<hbm>> -> memref<1x1x64xf32, #tpu.memory_space<hbm>>
      %dma_start3A_371 = tpu.memref_squeeze %dma_start3A_370 : memref<1x1x64xf32, #tpu.memory_space<hbm>> -> memref<64xf32, #tpu.memory_space<hbm>>
      %dma_start3A_372 = arith.constant 0 : i32
      %dma_start3A_373 = tpu.memref_slice %arg6[%add3A_365, %dma_start3A_372] : memref<544x128xf32, #tpu.memory_space<vmem>> -> memref<1x64xf32, #tpu.memory_space<vmem>>
      %dma_start3A_374 = tpu.memref_squeeze %dma_start3A_373 : memref<1x64xf32, #tpu.memory_space<vmem>> -> memref<64xf32, #tpu.memory_space<vmem>>
      %dma_start3A_375 = arith.constant 0 : i32
      %dma_start3A_376 = tpu.memref_slice %arg3[%shift_right_logical3A_359, %and3A_361, %dma_start3A_375] : memref<125000x8x64xf32, #tpu.memory_space<hbm>> -> memref<1x1x64xf32, #tpu.memory_space<hbm>>
      %dma_start3A_377 = tpu.memref_squeeze %dma_start3A_376 : memref<1x1x64xf32, #tpu.memory_space<hbm>> -> memref<64xf32, #tpu.memory_space<hbm>>
      tpu.enqueue_dma source(%dma_start3A_377 : memref<64xf32, #tpu.memory_space<hbm>>) target(%dma_start3A_374 : memref<64xf32, #tpu.memory_space<vmem>>) target_semaphore(%arg7 : memref<!tpu.dma_semaphore, #tpu.memory_space<semaphore_mem>>)
      %eq3A_378 = arith.constant 12 : i32
      %eq3A_379 = vector.broadcast %eq3A_378 : i32 to vector<16xi32>
      %eq3A_380 = arith.cmpi eq, %iota3A, %eq3A_379 : vector<16xi32>
      %jit3A_381 = arith.constant 0 : i32
      %broadcast_in_dim3A_382 = vector.broadcast %jit3A_381 : i32 to vector<16xi32>
      %select_n3A_383 = arith.select %eq3A_380, %get3A_20, %broadcast_in_dim3A_382 : vector<16xi1>, vector<16xi32>
      %reduce_sum3A_384 = arith.constant true
      %reduce_sum3A_385 = vector.broadcast %reduce_sum3A_384 : i1 to vector<16xi1>
      %reduce_sum3A_386 = tpu.scan <sum>, %select_n3A_383 masked %reduce_sum3A_385 : vector<16xi32>, vector<16xi1> -> vector<16xi32>
      %reduce_sum3A_387 = vector.extract %reduce_sum3A_386[15] : i32 from vector<16xi32>
      %shift_right_logical3A_388 = arith.constant 3 : i32
      %shift_right_logical3A_389 = arith.shrui %reduce_sum3A_387, %shift_right_logical3A_388 : i32
      %and3A_390 = arith.constant 7 : i32
      %and3A_391 = arith.andi %reduce_sum3A_387, %and3A_390 : i32
      %mul3A_392 = arith.constant 16 : i32
      %mul3A_393 = arith.muli %scan3A_17, %mul3A_392 : i32
      %add3A_394 = arith.constant 12 : i32
      %add3A_395 = arith.addi %mul3A_393, %add3A_394 : i32
      %dma_start3A_396 = arith.constant 0 : i32
      %dma_start3A_397 = tpu.memref_slice %arg6[%add3A_395, %dma_start3A_396] : memref<544x128xf32, #tpu.memory_space<vmem>> -> memref<1x64xf32, #tpu.memory_space<vmem>>
      %dma_start3A_398 = tpu.memref_squeeze %dma_start3A_397 : memref<1x64xf32, #tpu.memory_space<vmem>> -> memref<64xf32, #tpu.memory_space<vmem>>
      %dma_start3A_399 = arith.constant 0 : i32
      %dma_start3A_400 = tpu.memref_slice %arg3[%shift_right_logical3A_389, %and3A_391, %dma_start3A_399] : memref<125000x8x64xf32, #tpu.memory_space<hbm>> -> memref<1x1x64xf32, #tpu.memory_space<hbm>>
      %dma_start3A_401 = tpu.memref_squeeze %dma_start3A_400 : memref<1x1x64xf32, #tpu.memory_space<hbm>> -> memref<64xf32, #tpu.memory_space<hbm>>
      %dma_start3A_402 = arith.constant 0 : i32
      %dma_start3A_403 = tpu.memref_slice %arg6[%add3A_395, %dma_start3A_402] : memref<544x128xf32, #tpu.memory_space<vmem>> -> memref<1x64xf32, #tpu.memory_space<vmem>>
      %dma_start3A_404 = tpu.memref_squeeze %dma_start3A_403 : memref<1x64xf32, #tpu.memory_space<vmem>> -> memref<64xf32, #tpu.memory_space<vmem>>
      %dma_start3A_405 = arith.constant 0 : i32
      %dma_start3A_406 = tpu.memref_slice %arg3[%shift_right_logical3A_389, %and3A_391, %dma_start3A_405] : memref<125000x8x64xf32, #tpu.memory_space<hbm>> -> memref<1x1x64xf32, #tpu.memory_space<hbm>>
      %dma_start3A_407 = tpu.memref_squeeze %dma_start3A_406 : memref<1x1x64xf32, #tpu.memory_space<hbm>> -> memref<64xf32, #tpu.memory_space<hbm>>
      tpu.enqueue_dma source(%dma_start3A_407 : memref<64xf32, #tpu.memory_space<hbm>>) target(%dma_start3A_404 : memref<64xf32, #tpu.memory_space<vmem>>) target_semaphore(%arg7 : memref<!tpu.dma_semaphore, #tpu.memory_space<semaphore_mem>>)
      %eq3A_408 = arith.constant 13 : i32
      %eq3A_409 = vector.broadcast %eq3A_408 : i32 to vector<16xi32>
      %eq3A_410 = arith.cmpi eq, %iota3A, %eq3A_409 : vector<16xi32>
      %jit3A_411 = arith.constant 0 : i32
      %broadcast_in_dim3A_412 = vector.broadcast %jit3A_411 : i32 to vector<16xi32>
      %select_n3A_413 = arith.select %eq3A_410, %get3A_20, %broadcast_in_dim3A_412 : vector<16xi1>, vector<16xi32>
      %reduce_sum3A_414 = arith.constant true
      %reduce_sum3A_415 = vector.broadcast %reduce_sum3A_414 : i1 to vector<16xi1>
      %reduce_sum3A_416 = tpu.scan <sum>, %select_n3A_413 masked %reduce_sum3A_415 : vector<16xi32>, vector<16xi1> -> vector<16xi32>
      %reduce_sum3A_417 = vector.extract %reduce_sum3A_416[15] : i32 from vector<16xi32>
      %shift_right_logical3A_418 = arith.constant 3 : i32
      %shift_right_logical3A_419 = arith.shrui %reduce_sum3A_417, %shift_right_logical3A_418 : i32
      %and3A_420 = arith.constant 7 : i32
      %and3A_421 = arith.andi %reduce_sum3A_417, %and3A_420 : i32
      %mul3A_422 = arith.constant 16 : i32
      %mul3A_423 = arith.muli %scan3A_17, %mul3A_422 : i32
      %add3A_424 = arith.constant 13 : i32
      %add3A_425 = arith.addi %mul3A_423, %add3A_424 : i32
      %dma_start3A_426 = arith.constant 0 : i32
      %dma_start3A_427 = tpu.memref_slice %arg6[%add3A_425, %dma_start3A_426] : memref<544x128xf32, #tpu.memory_space<vmem>> -> memref<1x64xf32, #tpu.memory_space<vmem>>
      %dma_start3A_428 = tpu.memref_squeeze %dma_start3A_427 : memref<1x64xf32, #tpu.memory_space<vmem>> -> memref<64xf32, #tpu.memory_space<vmem>>
      %dma_start3A_429 = arith.constant 0 : i32
      %dma_start3A_430 = tpu.memref_slice %arg3[%shift_right_logical3A_419, %and3A_421, %dma_start3A_429] : memref<125000x8x64xf32, #tpu.memory_space<hbm>> -> memref<1x1x64xf32, #tpu.memory_space<hbm>>
      %dma_start3A_431 = tpu.memref_squeeze %dma_start3A_430 : memref<1x1x64xf32, #tpu.memory_space<hbm>> -> memref<64xf32, #tpu.memory_space<hbm>>
      %dma_start3A_432 = arith.constant 0 : i32
      %dma_start3A_433 = tpu.memref_slice %arg6[%add3A_425, %dma_start3A_432] : memref<544x128xf32, #tpu.memory_space<vmem>> -> memref<1x64xf32, #tpu.memory_space<vmem>>
      %dma_start3A_434 = tpu.memref_squeeze %dma_start3A_433 : memref<1x64xf32, #tpu.memory_space<vmem>> -> memref<64xf32, #tpu.memory_space<vmem>>
      %dma_start3A_435 = arith.constant 0 : i32
      %dma_start3A_436 = tpu.memref_slice %arg3[%shift_right_logical3A_419, %and3A_421, %dma_start3A_435] : memref<125000x8x64xf32, #tpu.memory_space<hbm>> -> memref<1x1x64xf32, #tpu.memory_space<hbm>>
      %dma_start3A_437 = tpu.memref_squeeze %dma_start3A_436 : memref<1x1x64xf32, #tpu.memory_space<hbm>> -> memref<64xf32, #tpu.memory_space<hbm>>
      tpu.enqueue_dma source(%dma_start3A_437 : memref<64xf32, #tpu.memory_space<hbm>>) target(%dma_start3A_434 : memref<64xf32, #tpu.memory_space<vmem>>) target_semaphore(%arg7 : memref<!tpu.dma_semaphore, #tpu.memory_space<semaphore_mem>>)
      %eq3A_438 = arith.constant 14 : i32
      %eq3A_439 = vector.broadcast %eq3A_438 : i32 to vector<16xi32>
      %eq3A_440 = arith.cmpi eq, %iota3A, %eq3A_439 : vector<16xi32>
      %jit3A_441 = arith.constant 0 : i32
      %broadcast_in_dim3A_442 = vector.broadcast %jit3A_441 : i32 to vector<16xi32>
      %select_n3A_443 = arith.select %eq3A_440, %get3A_20, %broadcast_in_dim3A_442 : vector<16xi1>, vector<16xi32>
      %reduce_sum3A_444 = arith.constant true
      %reduce_sum3A_445 = vector.broadcast %reduce_sum3A_444 : i1 to vector<16xi1>
      %reduce_sum3A_446 = tpu.scan <sum>, %select_n3A_443 masked %reduce_sum3A_445 : vector<16xi32>, vector<16xi1> -> vector<16xi32>
      %reduce_sum3A_447 = vector.extract %reduce_sum3A_446[15] : i32 from vector<16xi32>
      %shift_right_logical3A_448 = arith.constant 3 : i32
      %shift_right_logical3A_449 = arith.shrui %reduce_sum3A_447, %shift_right_logical3A_448 : i32
      %and3A_450 = arith.constant 7 : i32
      %and3A_451 = arith.andi %reduce_sum3A_447, %and3A_450 : i32
      %mul3A_452 = arith.constant 16 : i32
      %mul3A_453 = arith.muli %scan3A_17, %mul3A_452 : i32
      %add3A_454 = arith.constant 14 : i32
      %add3A_455 = arith.addi %mul3A_453, %add3A_454 : i32
      %dma_start3A_456 = arith.constant 0 : i32
      %dma_start3A_457 = tpu.memref_slice %arg6[%add3A_455, %dma_start3A_456] : memref<544x128xf32, #tpu.memory_space<vmem>> -> memref<1x64xf32, #tpu.memory_space<vmem>>
      %dma_start3A_458 = tpu.memref_squeeze %dma_start3A_457 : memref<1x64xf32, #tpu.memory_space<vmem>> -> memref<64xf32, #tpu.memory_space<vmem>>
      %dma_start3A_459 = arith.constant 0 : i32
      %dma_start3A_460 = tpu.memref_slice %arg3[%shift_right_logical3A_449, %and3A_451, %dma_start3A_459] : memref<125000x8x64xf32, #tpu.memory_space<hbm>> -> memref<1x1x64xf32, #tpu.memory_space<hbm>>
      %dma_start3A_461 = tpu.memref_squeeze %dma_start3A_460 : memref<1x1x64xf32, #tpu.memory_space<hbm>> -> memref<64xf32, #tpu.memory_space<hbm>>
      %dma_start3A_462 = arith.constant 0 : i32
      %dma_start3A_463 = tpu.memref_slice %arg6[%add3A_455, %dma_start3A_462] : memref<544x128xf32, #tpu.memory_space<vmem>> -> memref<1x64xf32, #tpu.memory_space<vmem>>
      %dma_start3A_464 = tpu.memref_squeeze %dma_start3A_463 : memref<1x64xf32, #tpu.memory_space<vmem>> -> memref<64xf32, #tpu.memory_space<vmem>>
      %dma_start3A_465 = arith.constant 0 : i32
      %dma_start3A_466 = tpu.memref_slice %arg3[%shift_right_logical3A_449, %and3A_451, %dma_start3A_465] : memref<125000x8x64xf32, #tpu.memory_space<hbm>> -> memref<1x1x64xf32, #tpu.memory_space<hbm>>
      %dma_start3A_467 = tpu.memref_squeeze %dma_start3A_466 : memref<1x1x64xf32, #tpu.memory_space<hbm>> -> memref<64xf32, #tpu.memory_space<hbm>>
      tpu.enqueue_dma source(%dma_start3A_467 : memref<64xf32, #tpu.memory_space<hbm>>) target(%dma_start3A_464 : memref<64xf32, #tpu.memory_space<vmem>>) target_semaphore(%arg7 : memref<!tpu.dma_semaphore, #tpu.memory_space<semaphore_mem>>)
      %eq3A_468 = arith.constant 15 : i32
      %eq3A_469 = vector.broadcast %eq3A_468 : i32 to vector<16xi32>
      %eq3A_470 = arith.cmpi eq, %iota3A, %eq3A_469 : vector<16xi32>
      %jit3A_471 = arith.constant 0 : i32
      %broadcast_in_dim3A_472 = vector.broadcast %jit3A_471 : i32 to vector<16xi32>
      %select_n3A_473 = arith.select %eq3A_470, %get3A_20, %broadcast_in_dim3A_472 : vector<16xi1>, vector<16xi32>
      %reduce_sum3A_474 = arith.constant true
      %reduce_sum3A_475 = vector.broadcast %reduce_sum3A_474 : i1 to vector<16xi1>
      %reduce_sum3A_476 = tpu.scan <sum>, %select_n3A_473 masked %reduce_sum3A_475 : vector<16xi32>, vector<16xi1> -> vector<16xi32>
      %reduce_sum3A_477 = vector.extract %reduce_sum3A_476[15] : i32 from vector<16xi32>
      %shift_right_logical3A_478 = arith.constant 3 : i32
      %shift_right_logical3A_479 = arith.shrui %reduce_sum3A_477, %shift_right_logical3A_478 : i32
      %and3A_480 = arith.constant 7 : i32
      %and3A_481 = arith.andi %reduce_sum3A_477, %and3A_480 : i32
      %mul3A_482 = arith.constant 16 : i32
      %mul3A_483 = arith.muli %scan3A_17, %mul3A_482 : i32
      %add3A_484 = arith.constant 15 : i32
      %add3A_485 = arith.addi %mul3A_483, %add3A_484 : i32
      %dma_start3A_486 = arith.constant 0 : i32
      %dma_start3A_487 = tpu.memref_slice %arg6[%add3A_485, %dma_start3A_486] : memref<544x128xf32, #tpu.memory_space<vmem>> -> memref<1x64xf32, #tpu.memory_space<vmem>>
      %dma_start3A_488 = tpu.memref_squeeze %dma_start3A_487 : memref<1x64xf32, #tpu.memory_space<vmem>> -> memref<64xf32, #tpu.memory_space<vmem>>
      %dma_start3A_489 = arith.constant 0 : i32
      %dma_start3A_490 = tpu.memref_slice %arg3[%shift_right_logical3A_479, %and3A_481, %dma_start3A_489] : memref<125000x8x64xf32, #tpu.memory_space<hbm>> -> memref<1x1x64xf32, #tpu.memory_space<hbm>>
      %dma_start3A_491 = tpu.memref_squeeze %dma_start3A_490 : memref<1x1x64xf32, #tpu.memory_space<hbm>> -> memref<64xf32, #tpu.memory_space<hbm>>
      %dma_start3A_492 = arith.constant 0 : i32
      %dma_start3A_493 = tpu.memref_slice %arg6[%add3A_485, %dma_start3A_492] : memref<544x128xf32, #tpu.memory_space<vmem>> -> memref<1x64xf32, #tpu.memory_space<vmem>>
      %dma_start3A_494 = tpu.memref_squeeze %dma_start3A_493 : memref<1x64xf32, #tpu.memory_space<vmem>> -> memref<64xf32, #tpu.memory_space<vmem>>
      %dma_start3A_495 = arith.constant 0 : i32
      %dma_start3A_496 = tpu.memref_slice %arg3[%shift_right_logical3A_479, %and3A_481, %dma_start3A_495] : memref<125000x8x64xf32, #tpu.memory_space<hbm>> -> memref<1x1x64xf32, #tpu.memory_space<hbm>>
      %dma_start3A_497 = tpu.memref_squeeze %dma_start3A_496 : memref<1x1x64xf32, #tpu.memory_space<hbm>> -> memref<64xf32, #tpu.memory_space<hbm>>
      tpu.enqueue_dma source(%dma_start3A_497 : memref<64xf32, #tpu.memory_space<hbm>>) target(%dma_start3A_494 : memref<64xf32, #tpu.memory_space<vmem>>) target_semaphore(%arg7 : memref<!tpu.dma_semaphore, #tpu.memory_space<semaphore_mem>>)
    }
    %scan3A_7 = arith.constant 34 : i32
    %dma_wait3A = arith.constant 0 : i32
    %dma_wait3A_8 = arith.constant 0 : i32
    %dma_wait3A_9 = tpu.memref_slice %arg6[%dma_wait3A, %dma_wait3A_8] : memref<544x128xf32, #tpu.memory_space<vmem>> -> memref<272x128xf32, #tpu.memory_space<vmem>>
    %dma_wait3A_10 = arith.constant 0 : i32
    %dma_wait3A_11 = tpu.memref_slice %arg4[%mul3A_2, %dma_wait3A_10] : memref<17408x128xf32, #tpu.memory_space<hbm>> -> memref<272x128xf32, #tpu.memory_space<hbm>>
    %dma_wait3A_12 = arith.constant 0 : i32
    %dma_wait3A_13 = arith.constant 0 : i32
    %dma_wait3A_14 = tpu.memref_slice %arg6[%dma_wait3A_12, %dma_wait3A_13] : memref<544x128xf32, #tpu.memory_space<vmem>> -> memref<272x128xf32, #tpu.memory_space<vmem>>
    %dma_wait3A_15 = arith.constant 0 : i32
    %dma_wait3A_16 = tpu.memref_slice %arg4[%mul3A_2, %dma_wait3A_15] : memref<17408x128xf32, #tpu.memory_space<hbm>> -> memref<272x128xf32, #tpu.memory_space<hbm>>
    tpu.wait_dma2 semaphore(%arg7 : memref<!tpu.dma_semaphore, #tpu.memory_space<semaphore_mem>>) src(%dma_wait3A_16 : memref<272x128xf32, #tpu.memory_space<hbm>>) dst(%dma_wait3A_14 : memref<272x128xf32, #tpu.memory_space<vmem>>)
    "tpu.region"() ({
      %run_scoped3A = tpu.sem_alloc : memref<!tpu.dma_semaphore, #tpu.memory_space<semaphore_mem>>
      %dma_start3A = arith.constant 0 : i32
      %dma_start3A_17 = tpu.memref_slice %arg4[%mul3A_2, %dma_start3A] : memref<17408x128xf32, #tpu.memory_space<hbm>> -> memref<544x128xf32, #tpu.memory_space<hbm>>
      %dma_start3A_18 = arith.constant 0 : i32
      %dma_start3A_19 = tpu.memref_slice %arg4[%mul3A_2, %dma_start3A_18] : memref<17408x128xf32, #tpu.memory_space<hbm>> -> memref<544x128xf32, #tpu.memory_space<hbm>>
      tpu.enqueue_dma source(%arg6 : memref<544x128xf32, #tpu.memory_space<vmem>>) target(%dma_start3A_19 : memref<544x128xf32, #tpu.memory_space<hbm>>) target_semaphore(%run_scoped3A : memref<!tpu.dma_semaphore, #tpu.memory_space<semaphore_mem>>)
      %dma_wait3A_20 = arith.constant 0 : i32
      %dma_wait3A_21 = tpu.memref_slice %arg4[%mul3A_2, %dma_wait3A_20] : memref<17408x128xf32, #tpu.memory_space<hbm>> -> memref<544x128xf32, #tpu.memory_space<hbm>>
      %dma_wait3A_22 = arith.constant 0 : i32
      %dma_wait3A_23 = tpu.memref_slice %arg4[%mul3A_2, %dma_wait3A_22] : memref<17408x128xf32, #tpu.memory_space<hbm>> -> memref<544x128xf32, #tpu.memory_space<hbm>>
      tpu.wait_dma2 semaphore(%run_scoped3A : memref<!tpu.dma_semaphore, #tpu.memory_space<semaphore_mem>>) src(%arg6 : memref<544x128xf32, #tpu.memory_space<vmem>>) dst(%dma_wait3A_23 : memref<544x128xf32, #tpu.memory_space<hbm>>)
      tpu.yield
    }) : () -> ()
    return
  }
}

module attributes {stable_mosaic.version = 14 : i64} {
  func.func @body(%arg0: i32, %arg1: memref<2048x64xf32, #tpu.memory_space<vmem>>, %arg2: memref<2048x128xf32, #tpu.memory_space<vmem>>, %arg3: memref<1024x128xf32, #tpu.memory_space<vmem>>, %arg4: memref<1x1024xf32, #tpu.memory_space<vmem>>, %arg5: memref<2048x1001xf32, #tpu.memory_space<vmem>>) attributes {dimension_semantics = [#tpu.dimension_semantics<arbitrary>], iteration_bounds = array<i64: 8>, scalar_prefetch = 0 : i64, scratch_operands = 0 : i64, tpu.core_type = #tpu.core_type<tc>, window_params = [{transform_indices = @transform_0, window_bounds = array<i64: 2048, 64>}, {transform_indices = @transform_1, window_bounds = array<i64: 2048, 128>}, {transform_indices = @transform_2, window_bounds = array<i64: 1024, 128>}, {pipeline_mode = #tpu.pipeline_mode<synchronous>, transform_indices = @transform_3, window_bounds = array<i64: 1, 1024>}, {transform_indices = @transform_4, window_bounds = array<i64: 2048, 1001>}]} {
    %get3A = arith.constant 0 : index
    %get3A_0 = arith.constant 0 : index
    %get3A_1 = vector.load %arg1[%get3A, %get3A_0] : memref<2048x64xf32, #tpu.memory_space<vmem>>, vector<2048x64xf32>
    %get3A_2 = arith.constant 0 : index
    %get3A_3 = arith.constant 0 : index
    %get3A_4 = vector.load %arg2[%get3A_2, %get3A_3] : memref<2048x128xf32, #tpu.memory_space<vmem>>, vector<2048x64xf32>
    %get3A_5 = arith.constant 0 : index
    %get3A_6 = arith.constant 64 : index
    %get3A_7 = vector.load %arg2[%get3A_5, %get3A_6] : memref<2048x128xf32, #tpu.memory_space<vmem>>, vector<2048x1xf32>
    %mul3A = arith.mulf %get3A_1, %get3A_4 : vector<2048x64xf32>
    %reduce_sum3A = arith.constant dense<0.000000e+00> : vector<2048xf32>
    %reduce_sum3A_8 = vector.multi_reduction <add>, %mul3A, %reduce_sum3A [1] : vector<2048x64xf32> to vector<2048xf32>
    %broadcast_in_dim3A = vector.shape_cast %reduce_sum3A_8 : vector<2048xf32> to vector<2048x1xf32>
    %get3A_9 = arith.constant 0 : index
    %get3A_10 = arith.constant 0 : index
    %get3A_11 = vector.load %arg3[%get3A_9, %get3A_10] : memref<1024x128xf32, #tpu.memory_space<vmem>>, vector<1024x64xf32>
    %dot_general3A = arith.constant dense<0.000000e+00> : vector<2048x1024xf32>
    %dot_general3A_12 = tpu.matmul %get3A_1, %get3A_11, %dot_general3A {dimension_numbers = #tpu.dot_dimension_numbers<[1], [1], [0], [0], [0, 0, 1, 0], [], []>, transpose_lhs_hint = false} : vector<2048x64xf32>, vector<1024x64xf32>, vector<2048x1024xf32> -> vector<2048x1024xf32>
    %slice3A = vector.extract_strided_slice %dot_general3A_12 {offsets = [0, 0], sizes = [2048, 1001], strides = [1, 1]} : vector<2048x1024xf32> to vector<2048x1001xf32>
    %get3A_13 = arith.constant 0 : index
    %get3A_14 = arith.constant 0 : index
    %get3A_15 = vector.load %arg4[%get3A_13, %get3A_14] : memref<1x1024xf32, #tpu.memory_space<vmem>>, vector<1x1001xf32>
    %eq3A = vector.broadcast %get3A_7 : vector<2048x1xf32> to vector<2048x1001xf32>
    %eq3A_16 = vector.broadcast %get3A_15 : vector<1x1001xf32> to vector<2048x1001xf32>
    %eq3A_17 = arith.cmpf oeq, %eq3A, %eq3A_16 : vector<2048x1001xf32>
    %jit3A = arith.constant -1.000000e+09 : f32
    %broadcast_in_dim3A_18 = vector.broadcast %jit3A : f32 to vector<2048x1001xf32>
    %select_n3A = arith.select %eq3A_17, %broadcast_in_dim3A_18, %slice3A : vector<2048x1001xi1>, vector<2048x1001xf32>
    %iota3A = tpu.iota {dimensions = array<i32: 1>} : vector<2048x1001xi32>
    %eq3A_19 = arith.constant 0 : i32
    %eq3A_20 = vector.broadcast %eq3A_19 : i32 to vector<2048x1001xi32>
    %eq3A_21 = arith.cmpi eq, %iota3A, %eq3A_20 : vector<2048x1001xi32>
    %broadcast_in_dim3A_22 = vector.shape_cast %broadcast_in_dim3A : vector<2048x1xf32> to vector<2048x1xf32>
    %broadcast_in_dim3A_23 = vector.broadcast %broadcast_in_dim3A_22 : vector<2048x1xf32> to vector<2048x1001xf32>
    %select_n3A_24 = arith.select %eq3A_21, %broadcast_in_dim3A_23, %select_n3A : vector<2048x1001xi1>, vector<2048x1001xf32>
    %swap3A = arith.constant 0 : index
    %swap3A_25 = arith.constant 0 : index
    %swap3A_26 = vector.load %arg5[%swap3A, %swap3A_25] : memref<2048x1001xf32, #tpu.memory_space<vmem>>, vector<2048x1001xf32>
    tpu.vector_store %arg5[%swap3A, %swap3A_25], %select_n3A_24 {strides = array<i32>} : memref<2048x1001xf32, #tpu.memory_space<vmem>>, vector<2048x1001xf32>,
    return
  }
  func.func @transform_0(%arg0: i32) -> (i32, i32) {
    %c0_i32 = arith.constant 0 : i32
    %c0_i32_0 = arith.constant 0 : i32
    return %arg0, %c0_i32 : i32, i32
  }
  func.func @transform_1(%arg0: i32) -> (i32, i32) {
    %c0_i32 = arith.constant 0 : i32
    %c0_i32_0 = arith.constant 0 : i32
    return %arg0, %c0_i32 : i32, i32
  }
  func.func @transform_2(%arg0: i32) -> (i32, i32) {
    %c16_i32 = arith.constant 16 : i32
    %c0_i32 = arith.constant 0 : i32
    %c0_i32_0 = arith.constant 0 : i32
    return %c16_i32, %c0_i32 : i32, i32
  }
  func.func @transform_3(%arg0: i32) -> (i32, i32) {
    %c0_i32 = arith.constant 0 : i32
    %c0_i32_0 = arith.constant 0 : i32
    %c0_i32_1 = arith.constant 0 : i32
    return %c0_i32, %c0_i32_0 : i32, i32
  }
  func.func @transform_4(%arg0: i32) -> (i32, i32) {
    %c0_i32 = arith.constant 0 : i32
    %c0_i32_0 = arith.constant 0 : i32
    return %arg0, %c0_i32 : i32, i32
  }
}

</mosaic_0001>

<sc_bundles>
// kernel: kernel.4.cloned.1.call-start
scs
__scs_entry_jumppad:
0x0: {  	(pc) =	sbr.rel $0x88, $3  }
0x1: {  	(tag) =	ssettag $0x0;
	lr =	simm.s32 $0x1  }
0x2: {  	[smem:$0x3F9D] =	sst lr;
	_ =	strace $0xD0000000  }
0x3: {  	_ = 	snop  }
0x4: {  	_ = 	snop  }
0x5: {  	_ = 	snop  }
0x6: {  	_ = 	snop  }
0x7: {  	_ = 	snop  }
__scs_overlays_trampoline_lowered:
0x8: {  	[smem:$0x3FAC] =	sst s0  }
0x9: {  	[smem:$0x3FAD] =	sst s1  }
0xa: {  	[smem:$0x3FAE] =	sst s2  }
0xb: {  	[smem:$0x3FAF] =	sst s3  }
0xc: {  	[smem:$0x3FB0] =	sst s4  }
0xd: {  	[smem:$0x3FB1] =	sst s5  }
0xe: {  	[smem:$0x3FB2] =	sst s6  }
0xf: {  	[smem:$0x3FB3] =	sst s7  }
0x10: {  	[smem:$0x3FB4] =	sst s8  }
0x11: {  	[smem:$0x3FB5] =	sst s9;
	s0 =	simm.s32 @!p0 $0x0  }
0x12: {  	s1 =	sld [smem:$0x3F9B];
	s0 =	simm.s32 @p0 $0x1  }
0x13: {  	[smem:$0x3FB6] =	sst s0;
	s0 =	simm.s32 @!p1 $0x0  }
0x14: {  	s2 =	sld [smem:$0x3F9A];
	s0 =	simm.s32 @p1 $0x1  }
0x15: {  	[smem:$0x3FB7] =	sst s0;
	s0 =	simm.s32 @!p2 $0x0  }
0x16: {  	s3 =	sld [smem:$0x3FDB];
	s0 =	simm.s32 @p2 $0x1  }
0x17: {  	s4 =	simm.s32 $0x1BF5;
	[smem:$0x3FB9] =	sst s0  }
0x18: {  	s0 =	sld [smem:$0x3F9C];
	_ =	swait.ge [sflag:s4], $0x0  }
0x19: {  	s7 =	sld [smem:$0x3F9D]  }
0x1a: {  	s8 =	sadd.s32 $0xFFFFE003, lr  }
0x1b: {  	s9 =	sadd.s32 $0xFFFFFEF7, lr;
	s5 =	simm.s32 $0xFFFFFFFF;
	p2 =	slt.u32 s8, $0xFFFFF086  }
0x1c: {  	p1 =	slt.u32 s9, $0xF7A;
	s5 =	simm.s32 @!p2 $0x0  }
0x1d: {  	s5 =	simm.s32 @p1 $0x1;
	p0 =	seq.s32 s7, s2  }
0x1e: {  	s7 =	smul.u32 @!p0 $0xF7A, s2;
	p2 =	seq.s32 @!p0 s5, $0x0  }
0x1f: {  	s9 =	smul.u32 $0xF7A, s1;
	s8 =	simm.s32 @!p0 $0x1BF5;
	p2 =	por !p2, p0  }
0x20: {  	[sflag:s8] =	ssyncset.s32 @!p0 $0xFFFFF086;
	s6 =	sadd.s32 @!p0 s3, s7;
	s7 =	simm.s32 @!p0 $0x108  }
0x21: {  	s3 =	sadd.s32 s3, s9;
	s6 =	sadd.s32 @!p0 $0x88, s6;
	s7 =	simm.s32 @p2 $0x1082  }
0x22: {  	[simem:s7], [sflag:s8] =	dma.local @!p0 [hbm:s6], $0xF7A  }
0x23: {  	s9 =	sor.u32 $0xD0000000, s2;
	s6 =	simm.s32 $0x108;
	_ =	swait.ge @!p0 [sflag:s8], $0x0  }
0x24: {  	s3 =	sadd.s32 $0x88, s3;
	s6 =	simm.s32 @!p1 $0x1082;
	[sflag:s4] =	ssyncset.s32 $0xFFFFF086  }
0x25: {  	[simem:s6], [sflag:s4] =	dma.local [hbm:s3], $0xF7A  }
0x26: {  	[smem:$0x3F9D] =	sst s1;
	(tag) =	ssettag s2;
	_ =	strace s9  }
0x27: {  	s1 =	sld [smem:$0x3FAD]  }
0x28: {  	s2 =	sld [smem:$0x3FAE]  }
0x29: {  	s4 =	sld [smem:$0x3FB0]  }
0x2a: {  	p0 =	seq.s32 s5, $0x0;
	s5 =	sld [smem:$0x3FB1]  }
0x2b: {  	s6 =	sld [smem:$0x3FB2]  }
0x2c: {  	s7 =	sld [smem:$0x3FB3]  }
0x2d: {  	s3 =	simm.s32 $0x108;
	s8 =	sld [smem:$0x3FB4]  }
0x2e: {  	s3 =	simm.s32 @!p0 $0x1082;
	s9 =	sld [smem:$0x3FB5]  }
0x2f: {  	lr =	sadd.s32 s0, s3;
	s0 =	sld [smem:$0x3FAC]  }
0x30: {  	s3 =	sld [smem:$0x3FAF]  }
0x31: {  	[smem:$0x3FB8] =	sst s10  }
0x32: {  	s10 =	sld [smem:$0x3FB6];
	_ =	sdelay $0x3  }
0x33: {  	p0 =	seq.s32 s10, $0x1;
	s10 =	sld [smem:$0x3FB8];
	_ =	sdelay $0x3  }
0x34: {  	[smem:$0x3FB8] =	sst s10  }
0x35: {  	s10 =	sld [smem:$0x3FB7];
	_ =	sdelay $0x3  }
0x36: {  	p1 =	seq.s32 s10, $0x1;
	s10 =	sld [smem:$0x3FB8];
	_ =	sdelay $0x3  }
0x37: {  	[smem:$0x3FB8] =	sst s10  }
0x38: {  	s10 =	sld [smem:$0x3FB9]  }
0x39: {  	_ = 	snop;
	(pc) =	sbr.ind lr, $3  }
0x3a: {  	_ = 	snop  }
0x3b: {  	_ = 	snop  }
0x3c: {  	p2 =	seq.s32 s10, $0x1;
	s10 =	sld [smem:$0x3FB8]  }
0x3d: {  	_ =	shalt  }
0x3e: {  	_ =	shalt  }
0x3f: {  	_ =	shalt  }
0x40: {  	_ =	shalt  }
0x41: {  	_ =	shalt  }
0x42: {  	_ =	shalt  }
0x43: {  	_ =	shalt  }
0x44: {  	_ =	shalt  }
0x45: {  	_ =	shalt  }
0x46: {  	_ =	shalt  }
0x47: {  	_ =	shalt  }
0x48: {  	_ =	shalt  }
0x49: {  	_ =	shalt  }
0x4a: {  	_ =	shalt  }
0x4b: {  	_ =	shalt  }
0x4c: {  	_ =	shalt  }
0x4d: {  	_ =	shalt  }
0x4e: {  	_ =	shalt  }
0x4f: {  	_ =	shalt  }
0x50: {  	_ =	shalt  }
0x51: {  	_ =	shalt  }
0x52: {  	_ =	shalt  }
0x53: {  	_ =	shalt  }
0x54: {  	_ =	shalt  }
0x55: {  	_ =	shalt  }
0x56: {  	_ =	shalt  }
0x57: {  	_ =	shalt  }
0x58: {  	_ =	shalt  }
0x59: {  	_ =	shalt  }
0x5a: {  	_ =	shalt  }
0x5b: {  	_ =	shalt  }
0x5c: {  	_ =	shalt  }
0x5d: {  	_ =	shalt  }
0x5e: {  	_ =	shalt  }
0x5f: {  	_ =	shalt  }
0x60: {  	_ =	shalt  }
0x61: {  	_ =	shalt  }
0x62: {  	_ =	shalt  }
0x63: {  	_ =	shalt  }
0x64: {  	_ =	shalt  }
0x65: {  	_ =	shalt  }
0x66: {  	_ =	shalt  }
0x67: {  	_ =	shalt  }
0x68: {  	_ =	shalt  }
0x69: {  	_ =	shalt  }
0x6a: {  	_ =	shalt  }
0x6b: {  	_ =	shalt  }
0x6c: {  	_ =	shalt  }
0x6d: {  	_ =	shalt  }
0x6e: {  	_ =	shalt  }
0x6f: {  	_ =	shalt  }
0x70: {  	_ =	shalt  }
0x71: {  	_ =	shalt  }
0x72: {  	_ =	shalt  }
0x73: {  	_ =	shalt  }
0x74: {  	_ =	shalt  }
0x75: {  	_ =	shalt  }
0x76: {  	_ =	shalt  }
0x77: {  	_ =	shalt  }
0x78: {  	_ =	shalt  }
0x79: {  	_ =	shalt  }
0x7a: {  	_ =	shalt  }
0x7b: {  	_ =	shalt  }
0x7c: {  	_ =	shalt  }
0x7d: {  	_ =	shalt  }
0x7e: {  	_ =	shalt  }
0x7f: {  	_ =	shalt  }
0x80: {  	_ =	shalt  }
0x81: {  	_ =	shalt  }
0x82: {  	_ =	shalt  }
0x83: {  	_ =	shalt  }
0x84: {  	_ =	shalt  }
0x85: {  	_ =	shalt  }
0x86: {  	_ =	shalt  }
0x87: {  	_ =	shalt  }
.Lfunc_end0:
.L_simem_size_0:
called_computation_lowered:
.L_overlay_start_0:
0x88: {  	s2 =	sld [smem:$0x3FD9]  }
0x89: {  	s3 =	sld [smem:$0x3FFE];
	_ =	sdelay $0x1  }
0x8a: {  	s1 =	srdreg.scid  }
0x8b: {  	s0 =	sand.u32 $0x1, s1  }
0x8c: {  	s17 =	sshll.u32 s0, $0xA;
	s2 =	sadd.s32 s3, s2  }
0x8d: {  	s2 =	sadd.s32 s2, s17  }
0x8e: {  	[smem:$0x3FC4] =	sst s2  }
0x8f: {  	_ = 	snop  }
0x90: {  	s2 =	sld [smem:$0x3FD0];
	(tm) =	ssettm $0x1  }
0x91: {  	s18 =	sld [smem:$0x3FFB];
	_ =	sdelay $0x3  }
0x92: {  	_ =	strace s18  }
0x93: {  	s3 =	sld [smem:$0x3FFC];
	_ =	sdelay $0x3  }
0x94: {  	_ =	strace s3  }
0x95: {  	s3 =	sld [smem:$0x3FFD];
	_ =	sdelay $0x3  }
0x96: {  	_ =	strace s3  }
0x97: {  	_ =	strace $0x8FFFFFFF  }
0x98: {  	s19 =	sld [smem:$0x3FDB];
	_ =	sdelay $0x1  }
0x99: {  	s4 =	simm.s32 $_scs_section_size  }
0x9a: {  	s5 =	simm.s32 $_size__tile_overlayer_lowered;
	s6 =	simm.s32 $_tile_overlayer_lowered  }
0x9b: {  	s22 =	simm.s32 $0x1BFF;
	s21 =	sshll.u32 s6, $0x1;
	s3 =	sadd.s32 s4, s19  }
0x9c: {  	s7 =	simm.s32 $0x0;
	s20 =	sshll.u32 s5, $0x1;
	s5 =	sadd.s32 s21, s3  }
0x9d: {  	[timem:s7], [sflag:s22] =	dma.local [hbm:s5], s20  }
0x9e: {  	_ =	swait.ge [sflag:s22], s20  }
0x9f: {  	s4 =	ssub.s32 $0x0, s20;
	[sflag:s22] =	ssyncset.done $0x0  }
0xa0: {  	[sflag:s22] =	ssyncadd.s32 s4;
	_ =	sdelay $0x1  }
0xa1: {  	s23 =	simm.s32 $0x1B8B  }
0xa2: {  	_ =	swait.ge [sflag:s23], $0x1  }
0xa3: {  	[sflag:s23] =	ssyncset.done $0x0  }
0xa4: {  	s25 =	simm.s32 $0x1B8E;
	s24 =	sld [smem:$0x3FFE];
	[sflag:s23] =	ssyncadd.s32 $0xFFFFFFFF  }
0xa5: {  	s26 =	simm.s32 $execute0_lowered;
	[smem:$0x3FD2] =	sst s25  }
0xa6: {  	s5 =	sshll.u32 s26, $0x1;
	_ =	strace $0x80000046;
	[dreg:$0x1] =	wrdreg $0xFFFFFFFF  }
0xa7: {  	s28 =	simm.s32 $_size_execute0_lowered;
	s3 =	sadd.s32 s3, s5;
	[dreg:$0x0] =	wrdreg $0x0  }
0xa8: {  	s5 =	sshll.u32 s28, $0x1;
	[dreg:$0x2] =	wrdreg s3  }
0xa9: {  	[dreg:$0x3] =	wrdreg s5  }
0xaa: {  	[dreg:$0x4] =	wrdreg $0xC0  }
0xab: {  	_ =	task [dreg:s7], $0x5FFFF  }
0xac: {  	[dreg:$0x1] =	wrdreg $0xFFFFFFFF  }
0xad: {  	[dreg:$0x0] =	wrdreg $0x60  }
0xae: {  	[dreg:$0x2] =	wrdreg s24  }
0xaf: {  	[dreg:$0x3] =	wrdreg s2  }
0xb0: {  	[dreg:$0x4] =	wrdreg $0x9  }
0xb1: {  	_ =	task.clear_ibuf [dreg:s7], $0x5FFFF;
	_ =	strace $0x90000046  }
0xb2: {  	s29 =	simm.s32 $0x9;
	_ =	strace $0x80000048  }
0xb3: {  	_ =	swait.ge [sflag:s29], $0x1  }
0xb4: {  	[sflag:s29] =	ssyncadd.s32 $0xFFFFFFFF  }
0xb5: {  	_ =	strace $0x90000048  }
0xb6: {  	_ =	sfence  }
0xb7: {  	s30 =	sld [smem:$0x0];
	_ =	sdelay $0x2  }
0xb8: {  	s31 =	sshll.u32 s1, $0xD;
	s1 =	sshrl.u32 s1, $0x2  }
0xb9: {  	s3 =	sand.u32 $0x4000, s31;
	s1 =	sadd.s32 s1, s30  }
0xba: {  	s0 =	sor.u32 s3, s0;
	s1 =	sshll.u32 s1, $0x11  }
0xbb: {  	s0 =	sor.u32 s1, s0  }
0xbc: {  	s0 =	sadd.s32 $0x8F2B, s0  }
0xbd: {  	[sflag:s0] =	ssyncadd.remote.s32 $0x1  }
0xbe: {  	_ =	sfence.sel $0xFFFF  }
0xbf: {  	[dreg:$0x0] =	wrdreg $0xFFFFFFFF;
	(pc) =	sbr.abs _section_cstart, $3  }
0xc0: {  	[dreg:$0x1] =	wrdreg $0xFFFFFFFF  }
0xc1: {  	_ =	task.clear_ibuf [dreg:s7], $0x2FFFF;
	_ =	strace $0x9FFFFFFF  }
0xc2: {  	(tm) =	ssettm $0x7FFFFFFF  }
0xc3: {  	_ =	shalt  }
tec
execute0_lowered:
.L_overlay_start_1:
0x0: {  	(tag) =	ssettag $0x1  }
0x1: {  	s3 =	rddreg [dreg:$0x0]  }
0x2: {  	s1 =	srdreg.scid;
	s0 =	stileid.u32  }
0x3: {  	s5 =	rddreg [dreg:$0x1];
	s2 =	simm.s32 $0x0;
	s9 =	simm.s32 $0x80  }
0x4: {  	s10 =	simm.s32 $0x400;
	s4 =	sand.u32 $0x1, s1;
	s6 =	sshll.u32 s0, $0x1  }
0x5: {  	v0 =	vlaneseq.u32;
	vm0 =	vmmov $0x1;
	vm1 =	vcmask $0x308;
	s11 =	simm.s32 $0x1;
	s12 =	simm.s32 $0x0;
	s6 =	sor.u32 s4, s6  }
0x6: {  	vm2 =	vcmask $0x70C;
	vm3 =	vcmask $0xB10;
	vm4 =	vcmask $0xF14;
	s1 =	rddreg [dreg:$0x2];
	s4 =	ssub.s32 $0x2, s4;
	s7 =	smul.u32 $0x44, s6  }
0x7: {  	vm5 =	vcmask $0x1318;
	vm6 =	vcmask $0x171C;
	vm7 =	vcmask $0x1B20;
	[smem:$0x7FF] =	sst s2;
	s8 =	sshrl.u32 s4, $0x1;
	s6 =	smul.u32 $0x2200, s6  }
0x8: {  	vm8 =	vcmask $0x1F24;
	vm9 =	vcmask $0x2328;
	vm10 =	vcmask $0x272C;
	_ =	strace $0x80000047;
	s8 =	ssub.s32 s4, s8;
	s7 =	sadd.s32 s7, s3  }
0x9: {  	vm11 =	vcmask $0x2B30;
	vm12 =	vcmask $0x2F34;
	vm13 =	vcmask $0x3338;
	s3 =	sadd.s32 $0xE00, s3;
	s5 =	sadd.s32 s5, s6;
	s6 =	smax.u32 s8, $0x1  }
0xa: {  	vm14 =	vcmask $0x373C;
	vm15 =	vmmov $0x7fff;
	v0 =	vmul.u32 $0x80, v0;
	s8 =	simm.s32 $0x280;
	s4 =	sadd.s32 $0xF43200, s7;
	s7 =	simm.s32 $0x2  }
.LBB2_1:
0xb: {  	[tilespmem:s2], [sflag:$0x2] =	stream.linear.gather [hbm4b:s4+s2], $0x220, $0x38;
	[tilespmem:$0x11280] =	vst v63  }
0xc: {  	_ =	swait.ge [sflag:s7], $0x220  }
0xd: {  	[sflag:s7] =	ssyncset.done $0x0  }
0xe: {  	[sflag:s7] =	ssyncadd.s32 $0xFFFFFDE0  }
0xf: {  	v1 =	vld [tilespmem:s2+$0x0];
	_ =	sdelay $0x4  }
0x10: {  	v2 =	vnsel vm0, $0x0, v1  }
0x11: {  	(xrf0) =	vadd.scan.msk.s32 $0xffff, v2  }
0x12: {  	v2 =	vsel vm1, $0x0, v1  }
0x13: {  	(xrf0) =	vadd.scan.msk.s32 $0xffff, v2  }
0x14: {  	v2 =	vsel vm2, $0x0, v1;
	_ =	sdelay $0x1  }
0x15: {  	(xrf0) =	vadd.scan.msk.s32 $0xffff, v2  }
0x16: {  	v2, _, _ =	vpop (xrf0)  }
0x17: {  	(v2sf) =	vpush v2, $0xF  }
0x18: {  	v2 =	vsel vm3, $0x0, v1;
	v3, _, _ =	vpop (xrf0)  }
0x19: {  	(xrf0) =	vadd.scan.msk.s32 $0xffff, v2;
	(v2sf) =	vpush v3, $0xF;
	_ =	sdelay $0x1  }
0x1a: {  	v2, _, _ =	vpop (xrf0)  }
0x1b: {  	v3 =	vsel vm4, $0x0, v1;
	(v2sf) =	vpush v2, $0xF  }
0x1c: {  	(xrf0) =	vadd.scan.msk.s32 $0xffff, v3;
	_ =	sdelay $0x1  }
0x1d: {  	v2, _, _ =	vpop (xrf0)  }
0x1e: {  	v3 =	vsel vm5, $0x0, v1;
	(v2sf) =	vpush v2, $0xF  }
0x1f: {  	(xrf0) =	vadd.scan.msk.s32 $0xffff, v3;
	v2 =	vmov s2  }
0x20: {  	v2 =	vshll.u32 v2, $0x7  }
0x21: {  	v3, _, _ =	vpop (xrf0);
	v2 =	vor.u32 v0, v2  }
0x22: {  	v4 =	vsel vm6, $0x0, v1;
	(v2sf) =	vpush v3, $0xF;
	v2 =	vor.u32 $0x40, v2  }
0x23: {  	(xrf0) =	vadd.scan.msk.s32 $0xffff, v4  }
0x24: {  	s13 =	spop (v2sf)  }
0x25: {  	v63 =	vcvt.s32.f32 v1;
	v3, _, _ =	vpop (xrf0);
	s13 =	sshll.u32 s13, $0x4  }
0x26: {  	v5 =	vsel vm7, $0x0, v1;
	(v2sf) =	vpush v3, $0xF;
	s14 =	spop (v2sf);
	s13 =	sand.u32 $0x1FFFFFF0, s13  }
0x27: {  	s15 =	simm.s32 $0x280;
	(xrf0) =	vadd.scan.msk.s32 $0xffff, v5;
	[tilespmem:v2+s8+$0x0] =	vst.idx.msk $0xffff, v63;
	s14 =	sshll.u32 s14, $0x4;
	s13 =	sadd.s32 s3, s13  }
0x28: {  	[tilespmem:s15], [sflag:$0x1] =	stream.strided.gather [hbm4b:s13+s9], $0x0, s10, s9, $0x38;
	[tilespmem:$0x11280] =	vst v63  }
0x29: {  	v2, _, _ =	vpop (xrf0);
	s14 =	sand.u32 $0x1FFFFFF0, s14;
	s16 =	spop (v2sf)  }
0x2a: {  	v3 =	vsel vm8, $0x0, v1;
	(v2sf) =	vpush v2, $0xF;
	[tilespmem:s15], [sflag:$0x1] =	stream.linear.gather [hbm4b:s13+s2], $0x40, $0x38;
	[tilespmem:$0x11280] =	vst v63  }
0x2b: {  	s20 =	simm.s32 $0x300;
	(xrf0) =	vadd.scan.msk.s32 $0xffff, v3;
	s14 =	sadd.s32 s3, s14;
	s21 =	sshll.u32 s16, $0x4  }
0x2c: {  	[tilespmem:s20], [sflag:$0x1] =	stream.strided.gather [hbm4b:s14+s9], $0x0, s10, s9, $0x38;
	[tilespmem:$0x11280] =	vst v63  }
0x2d: {  	v2, _, _ =	vpop (xrf0);
	s15 =	sand.u32 $0x1FFFFFF0, s21;
	s22 =	spop (v2sf)  }
0x2e: {  	v3 =	vsel vm9, $0x0, v1;
	(v2sf) =	vpush v2, $0xF;
	[tilespmem:s20], [sflag:$0x1] =	stream.linear.gather [hbm4b:s14+s2], $0x40, $0x38;
	[tilespmem:$0x11280] =	vst v63  }
0x2f: {  	s23 =	simm.s32 $0x380;
	(xrf0) =	vadd.scan.msk.s32 $0xffff, v3;
	s24 =	sadd.s32 s3, s15;
	s25 =	sshll.u32 s22, $0x4  }
0x30: {  	[tilespmem:s23], [sflag:$0x1] =	stream.strided.gather [hbm4b:s24+s9], $0x0, s10, s9, $0x38;
	[tilespmem:$0x11280] =	vst v63  }
0x31: {  	v2, _, _ =	vpop (xrf0);
	s26 =	spop (v2sf);
	s15 =	sand.u32 $0x1FFFFFF0, s25  }
0x32: {  	v3 =	vsel vm10, $0x0, v1;
	(v2sf) =	vpush v2, $0xF;
	[tilespmem:s23], [sflag:$0x1] =	stream.linear.gather [hbm4b:s24+s2], $0x40, $0x38;
	[tilespmem:$0x11280] =	vst v63  }
0x33: {  	s28 =	simm.s32 $0x400;
	(xrf0) =	vadd.scan.msk.s32 $0xffff, v3;
	s30 =	sshll.u32 s26, $0x4;
	s29 =	sadd.s32 s3, s15  }
0x34: {  	[tilespmem:s28], [sflag:$0x1] =	stream.strided.gather [hbm4b:s29+s9], $0x0, s10, s9, $0x38;
	[tilespmem:$0x11280] =	vst v63  }
0x35: {  	v2, _, _ =	vpop (xrf0);
	s15 =	sand.u32 $0x1FFFFFF0, s30;
	s31 =	spop (v2sf)  }
0x36: {  	v3 =	vsel vm11, $0x0, v1;
	(v2sf) =	vpush v2, $0xF;
	[tilespmem:s28], [sflag:$0x1] =	stream.linear.gather [hbm4b:s29+s2], $0x40, $0x38;
	[tilespmem:$0x11280] =	vst v63  }
0x37: {  	s17 =	simm.s32 $0x480;
	(xrf0) =	vadd.scan.msk.s32 $0xffff, v3;
	s18 =	sadd.s32 s3, s15;
	s19 =	sshll.u32 s31, $0x4  }
0x38: {  	[tilespmem:s17], [sflag:$0x1] =	stream.strided.gather [hbm4b:s18+s9], $0x0, s10, s9, $0x38;
	[tilespmem:$0x11280] =	vst v63  }
0x39: {  	v2, _, _ =	vpop (xrf0);
	s15 =	sand.u32 $0x1FFFFFF0, s19;
	s20 =	spop (v2sf)  }
0x3a: {  	v3 =	vsel vm12, $0x0, v1;
	(v2sf) =	vpush v2, $0xF;
	[tilespmem:s17], [sflag:$0x1] =	stream.linear.gather [hbm4b:s18+s2], $0x40, $0x38;
	[tilespmem:$0x11280] =	vst v63  }
0x3b: {  	s21 =	simm.s32 $0x500;
	(xrf0) =	vadd.scan.msk.s32 $0xffff, v3;
	s22 =	sadd.s32 s3, s15;
	s23 =	sshll.u32 s20, $0x4  }
0x3c: {  	[tilespmem:s21], [sflag:$0x1] =	stream.strided.gather [hbm4b:s22+s9], $0x0, s10, s9, $0x38;
	[tilespmem:$0x11280] =	vst v63  }
0x3d: {  	v2, _, _ =	vpop (xrf0);
	s15 =	sand.u32 $0x1FFFFFF0, s23;
	s24 =	spop (v2sf)  }
0x3e: {  	v3 =	vsel vm13, $0x0, v1;
	(v2sf) =	vpush v2, $0xF;
	[tilespmem:s21], [sflag:$0x1] =	stream.linear.gather [hbm4b:s22+s2], $0x40, $0x38;
	[tilespmem:$0x11280] =	vst v63  }
0x3f: {  	s25 =	simm.s32 $0x580;
	(xrf0) =	vadd.scan.msk.s32 $0xffff, v3;
	s26 =	sadd.s32 s3, s15;
	s28 =	sshll.u32 s24, $0x4  }
0x40: {  	[tilespmem:s25], [sflag:$0x1] =	stream.strided.gather [hbm4b:s26+s9], $0x0, s10, s9, $0x38;
	[tilespmem:$0x11280] =	vst v63  }
0x41: {  	v2, _, _ =	vpop (xrf0);
	s15 =	sand.u32 $0x1FFFFFF0, s28;
	s29 =	spop (v2sf)  }
0x42: {  	v3 =	vsel vm14, $0x0, v1;
	(v2sf) =	vpush v2, $0xF;
	[tilespmem:s25], [sflag:$0x1] =	stream.linear.gather [hbm4b:s26+s2], $0x40, $0x38;
	[tilespmem:$0x11280] =	vst v63  }
0x43: {  	s30 =	simm.s32 $0x600;
	(xrf0) =	vadd.scan.msk.s32 $0xffff, v3;
	s31 =	sadd.s32 s3, s15;
	s17 =	sshll.u32 s29, $0x4  }
0x44: {  	[tilespmem:s30], [sflag:$0x1] =	stream.strided.gather [hbm4b:s31+s9], $0x0, s10, s9, $0x38;
	[tilespmem:$0x11280] =	vst v63  }
0x45: {  	v2, _, _ =	vpop (xrf0);
	s15 =	sand.u32 $0x1FFFFFF0, s17;
	s18 =	spop (v2sf)  }
0x46: {  	v1 =	vsel vm15, $0x0, v1;
	(v2sf) =	vpush v2, $0xF;
	[tilespmem:s30], [sflag:$0x1] =	stream.linear.gather [hbm4b:s31+s2], $0x40, $0x38;
	[tilespmem:$0x11280] =	vst v63  }
0x47: {  	s19 =	simm.s32 $0x680;
	(xrf0) =	vadd.scan.msk.s32 $0xffff, v1;
	s20 =	sadd.s32 s3, s15;
	s21 =	sshll.u32 s18, $0x4  }
0x48: {  	[tilespmem:s19], [sflag:$0x1] =	stream.strided.gather [hbm4b:s20+s9], $0x0, s10, s9, $0x38;
	[tilespmem:$0x11280] =	vst v63  }
0x49: {  	v1, _, _ =	vpop (xrf0);
	s15 =	sand.u32 $0x1FFFFFF0, s21;
	s22 =	spop (v2sf)  }
0x4a: {  	(v2sf) =	vpush v1, $0xF;
	[tilespmem:s19], [sflag:$0x1] =	stream.linear.gather [hbm4b:s20+s2], $0x40, $0x38;
	[tilespmem:$0x11280] =	vst v63  }
0x4b: {  	s23 =	simm.s32 $0x700;
	s24 =	sadd.s32 s3, s15;
	s25 =	sshll.u32 s22, $0x4  }
0x4c: {  	[tilespmem:s23], [sflag:$0x1] =	stream.strided.gather [hbm4b:s24+s9], $0x0, s10, s9, $0x38;
	[tilespmem:$0x11280] =	vst v63  }
0x4d: {  	v1, _, _ =	vpop (xrf0);
	s15 =	sand.u32 $0x1FFFFFF0, s25;
	s26 =	spop (v2sf)  }
0x4e: {  	(v2sf) =	vpush v1, $0xF;
	[tilespmem:s23], [sflag:$0x1] =	stream.linear.gather [hbm4b:s24+s2], $0x40, $0x38;
	[tilespmem:$0x11280] =	vst v63  }
0x4f: {  	s28 =	simm.s32 $0x780;
	s29 =	sadd.s32 s3, s15;
	s30 =	sshll.u32 s26, $0x4  }
0x50: {  	[tilespmem:s28], [sflag:$0x1] =	stream.strided.gather [hbm4b:s29+s9], $0x0, s10, s9, $0x38;
	[tilespmem:$0x11280] =	vst v63  }
0x51: {  	s15 =	sand.u32 $0x1FFFFFF0, s30;
	s31 =	spop (v2sf)  }
0x52: {  	[tilespmem:s28], [sflag:$0x1] =	stream.linear.gather [hbm4b:s29+s2], $0x40, $0x38;
	[tilespmem:$0x11280] =	vst v63  }
0x53: {  	s14 =	simm.s32 $0x800;
	s17 =	sadd.s32 s3, s15;
	s18 =	sshll.u32 s31, $0x4  }
0x54: {  	[tilespmem:s14], [sflag:$0x1] =	stream.strided.gather [hbm4b:s17+s9], $0x0, s10, s9, $0x38;
	[tilespmem:$0x11280] =	vst v63  }
0x55: {  	s15 =	sand.u32 $0x1FFFFFF0, s18;
	s19 =	spop (v2sf)  }
0x56: {  	[tilespmem:s14], [sflag:$0x1] =	stream.linear.gather [hbm4b:s17+s2], $0x40, $0x38;
	[tilespmem:$0x11280] =	vst v63  }
0x57: {  	s20 =	simm.s32 $0x880;
	s21 =	sadd.s32 s3, s15;
	s22 =	sshll.u32 s19, $0x4  }
0x58: {  	[tilespmem:s20], [sflag:$0x1] =	stream.strided.gather [hbm4b:s21+s9], $0x0, s10, s9, $0x38;
	[tilespmem:$0x11280] =	vst v63  }
0x59: {  	s15 =	sand.u32 $0x1FFFFFF0, s22;
	s23 =	spop (v2sf)  }
0x5a: {  	[tilespmem:s20], [sflag:$0x1] =	stream.linear.gather [hbm4b:s21+s2], $0x40, $0x38;
	[tilespmem:$0x11280] =	vst v63  }
0x5b: {  	s24 =	simm.s32 $0x900;
	s25 =	sadd.s32 s3, s15;
	s26 =	sshll.u32 s23, $0x4  }
0x5c: {  	[tilespmem:s24], [sflag:$0x1] =	stream.strided.gather [hbm4b:s25+s9], $0x0, s10, s9, $0x38;
	[tilespmem:$0x11280] =	vst v63  }
0x5d: {  	s15 =	sand.u32 $0x1FFFFFF0, s26;
	s28 =	spop (v2sf)  }
0x5e: {  	[tilespmem:s24], [sflag:$0x1] =	stream.linear.gather [hbm4b:s25+s2], $0x40, $0x38;
	[tilespmem:$0x11280] =	vst v63  }
0x5f: {  	s29 =	simm.s32 $0x980;
	s15 =	sadd.s32 s3, s15;
	s30 =	sshll.u32 s28, $0x4  }
0x60: {  	[tilespmem:s29], [sflag:$0x1] =	stream.strided.gather [hbm4b:s15+s9], $0x0, s10, s9, $0x38;
	[tilespmem:$0x11280] =	vst v63  }
0x61: {  	s13 =	simm.s32 $0x2000;
	s17 =	simm.s32 $0xA00;
	s31 =	sand.u32 $0x1FFFFFF0, s30  }
0x62: {  	[tilespmem:s29], [sflag:$0x1] =	stream.linear.gather [hbm4b:s15+s2], $0x40, $0x38;
	[tilespmem:$0x11280] =	vst v63  }
0x63: {  	s14 =	simm.s32 $0x10;
	s18 =	sadd.s32 s3, s31;
	s15 =	simm.s32 $0x10  }
.LBB2_2:
0x64: {  	[tilespmem:s17], [sflag:$0x1] =	stream.strided.gather [hbm4b:s18+s9], $0x0, s10, s9, $0x38;
	[tilespmem:$0x11280] =	vst v63  }
0x65: {  	p0 =	sne.s32 s13, $0x42000;
	s16 =	smov.u32 s13;
	s13 =	sadd.s32 $0x2000, s13  }
0x66: {  	[tilespmem:s17], [sflag:$0x1] =	stream.linear.gather [hbm4b:s18+s2], $0x40, $0x38;
	[tilespmem:$0x11280] =	vst v63  }
0x67: {  	v1 =	vld [tilespmem:s14+$0x0];
	_ =	sdelay $0x4  }
0x68: {  	v2 =	vnsel vm0, $0x0, v1;
	v3 =	vsel vm1, $0x0, v1;
	v4 =	vsel vm2, $0x0, v1  }
0x69: {  	v5 =	vsel vm3, $0x0, v1;
	v6 =	vsel vm4, $0x0, v1;
	v7 =	vsel vm5, $0x0, v1;
	(xrf0) =	vadd.scan.msk.s32 $0xffff, v2  }
0x6a: {  	v8 =	vsel vm7, $0x0, v1;
	v9 =	vsel vm8, $0x0, v1;
	v2 =	vsel vm6, $0x0, v1;
	(xrf0) =	vadd.scan.msk.s32 $0xffff, v3  }
0x6b: {  	v10 =	vsel vm10, $0x0, v1;
	v11 =	vsel vm11, $0x0, v1;
	v3 =	vsel vm9, $0x0, v1;
	(xrf0) =	vadd.scan.msk.s32 $0xffff, v4  }
0x6c: {  	v12 =	vsel vm13, $0x0, v1;
	v13 =	vsel vm14, $0x0, v1;
	v4 =	vsel vm12, $0x0, v1;
	(xrf0) =	vadd.scan.msk.s32 $0xffff, v5  }
0x6d: {  	v5 =	vsel vm15, $0x0, v1;
	(xrf0) =	vadd.scan.msk.s32 $0xffff, v6  }
0x6e: {  	(xrf0) =	vadd.scan.msk.s32 $0xffff, v7  }
0x6f: {  	v6, _, _ =	vpop (xrf0);
	(xrf0) =	vadd.scan.msk.s32 $0xffff, v2  }
0x70: {  	(v2sf) =	vpush v6, $0xF;
	v2, _, _ =	vpop (xrf0);
	(xrf0) =	vadd.scan.msk.s32 $0xffff, v8  }
0x71: {  	(v2sf) =	vpush v2, $0xF;
	v2, _, _ =	vpop (xrf0);
	(xrf0) =	vadd.scan.msk.s32 $0xffff, v9  }
0x72: {  	v6, _, _ =	vpop (xrf0);
	(xrf0) =	vadd.scan.msk.s32 $0xffff, v3  }
0x73: {  	(v2sf) =	vpush v2, $0xF;
	v2, _, _ =	vpop (xrf0);
	(xrf0) =	vadd.scan.msk.s32 $0xffff, v10  }
0x74: {  	v3, _, _ =	vpop (xrf0);
	(xrf0) =	vadd.scan.msk.s32 $0xffff, v11  }
0x75: {  	v7, _, _ =	vpop (xrf0);
	(xrf0) =	vadd.scan.msk.s32 $0xffff, v4  }
0x76: {  	v4, _, _ =	vpop (xrf0);
	(xrf0) =	vadd.scan.msk.s32 $0xffff, v12  }
0x77: {  	(v2sf) =	vpush v6, $0xF;
	v6, _, _ =	vpop (xrf0);
	(xrf0) =	vadd.scan.msk.s32 $0xffff, v13  }
0x78: {  	v11 =	vmov s15;
	v9, _, _ =	vpop (xrf0);
	(xrf0) =	vadd.scan.msk.s32 $0xffff, v5  }
0x79: {  	v5 =	vshll.u32 v11, $0x7;
	v8, _, _ =	vpop (xrf0)  }
0x7a: {  	v5 =	vor.u32 v0, v5;
	v10, _, _ =	vpop (xrf0)  }
0x7b: {  	v5 =	vor.u32 $0x40, v5;
	(v2sf) =	vpush v2, $0xF;
	v2, _, _ =	vpop (xrf0)  }
0x7c: {  	v11, _, _ =	vpop (xrf0)  }
0x7d: {  	v12, _, _ =	vpop (xrf0)  }
0x7e: {  	s16 =	sshra.s32 s16, $0x2;
	v13, _, _ =	vpop (xrf0)  }
0x7f: {  	v1 =	vcvt.s32.f32 v1;
	s17 =	spop (v2sf);
	(v2sf) =	vpush v3, $0xF  }
0x80: {  	s17 =	sshll.u32 s17, $0x4;
	s18 =	spop (v2sf)  }
0x81: {  	s19 =	sadd.s32 $0x280, s16;
	[tilespmem:v5+s8+$0x0] =	vst.idx.msk $0xffff, v1;
	s17 =	sand.u32 $0x1FFFFFF0, s17;
	s18 =	sshll.u32 s18, $0x4  }
0x82: {  	s17 =	sadd.s32 s3, s17;
	s18 =	sand.u32 $0x1FFFFFF0, s18;
	s20 =	spop (v2sf)  }
0x83: {  	[tilespmem:s19], [sflag:$0x1] =	stream.strided.gather [hbm4b:s17+s9], $0x0, s10, s9, $0x38;
	(v2sf) =	vpush v7, $0xF;
	[tilespmem:$0x11280] =	vst v63  }
0x84: {  	s21 =	sadd.s32 $0x300, s16;
	s18 =	sadd.s32 s3, s18;
	s20 =	sshll.u32 s20, $0x4  }
0x85: {  	[tilespmem:s19], [sflag:$0x1] =	stream.linear.gather [hbm4b:s17+s2], $0x40, $0x38;
	[tilespmem:$0x11280] =	vst v63  }
0x86: {  	s17 =	sand.u32 $0x1FFFFFF0, s20;
	s19 =	spop (v2sf)  }
0x87: {  	[tilespmem:s21], [sflag:$0x1] =	stream.strided.gather [hbm4b:s18+s9], $0x0, s10, s9, $0x38;
	(v2sf) =	vpush v4, $0xF;
	[tilespmem:$0x11280] =	vst v63  }
0x88: {  	s20 =	sadd.s32 $0x380, s16;
	s17 =	sadd.s32 s3, s17;
	s19 =	sshll.u32 s19, $0x4  }
0x89: {  	[tilespmem:s21], [sflag:$0x1] =	stream.linear.gather [hbm4b:s18+s2], $0x40, $0x38;
	[tilespmem:$0x11280] =	vst v63  }
0x8a: {  	s18 =	sand.u32 $0x1FFFFFF0, s19;
	s19 =	spop (v2sf)  }
0x8b: {  	[tilespmem:s20], [sflag:$0x1] =	stream.strided.gather [hbm4b:s17+s9], $0x0, s10, s9, $0x38;
	(v2sf) =	vpush v6, $0xF;
	[tilespmem:$0x11280] =	vst v63  }
0x8c: {  	s21 =	sadd.s32 $0x400, s16;
	s18 =	sadd.s32 s3, s18;
	s19 =	sshll.u32 s19, $0x4  }
0x8d: {  	[tilespmem:s20], [sflag:$0x1] =	stream.linear.gather [hbm4b:s17+s2], $0x40, $0x38;
	[tilespmem:$0x11280] =	vst v63  }
0x8e: {  	s17 =	sand.u32 $0x1FFFFFF0, s19;
	s19 =	spop (v2sf)  }
0x8f: {  	[tilespmem:s21], [sflag:$0x1] =	stream.strided.gather [hbm4b:s18+s9], $0x0, s10, s9, $0x38;
	(v2sf) =	vpush v9, $0xF;
	[tilespmem:$0x11280] =	vst v63  }
0x90: {  	s20 =	sadd.s32 $0x480, s16;
	s17 =	sadd.s32 s3, s17;
	s19 =	sshll.u32 s19, $0x4  }
0x91: {  	[tilespmem:s21], [sflag:$0x1] =	stream.linear.gather [hbm4b:s18+s2], $0x40, $0x38;
	[tilespmem:$0x11280] =	vst v63  }
0x92: {  	s18 =	sand.u32 $0x1FFFFFF0, s19;
	s19 =	spop (v2sf)  }
0x93: {  	[tilespmem:s20], [sflag:$0x1] =	stream.strided.gather [hbm4b:s17+s9], $0x0, s10, s9, $0x38;
	(v2sf) =	vpush v8, $0xF;
	[tilespmem:$0x11280] =	vst v63  }
0x94: {  	s21 =	sadd.s32 $0x500, s16;
	s18 =	sadd.s32 s3, s18;
	s19 =	sshll.u32 s19, $0x4  }
0x95: {  	[tilespmem:s20], [sflag:$0x1] =	stream.linear.gather [hbm4b:s17+s2], $0x40, $0x38;
	[tilespmem:$0x11280] =	vst v63  }
0x96: {  	s17 =	sand.u32 $0x1FFFFFF0, s19;
	s19 =	spop (v2sf)  }
0x97: {  	[tilespmem:s21], [sflag:$0x1] =	stream.strided.gather [hbm4b:s18+s9], $0x0, s10, s9, $0x38;
	(v2sf) =	vpush v10, $0xF;
	[tilespmem:$0x11280] =	vst v63  }
0x98: {  	s20 =	sadd.s32 $0x580, s16;
	s17 =	sadd.s32 s3, s17;
	s19 =	sshll.u32 s19, $0x4  }
0x99: {  	[tilespmem:s21], [sflag:$0x1] =	stream.linear.gather [hbm4b:s18+s2], $0x40, $0x38;
	[tilespmem:$0x11280] =	vst v63  }
0x9a: {  	s18 =	sand.u32 $0x1FFFFFF0, s19;
	s19 =	spop (v2sf)  }
0x9b: {  	[tilespmem:s20], [sflag:$0x1] =	stream.strided.gather [hbm4b:s17+s9], $0x0, s10, s9, $0x38;
	(v2sf) =	vpush v2, $0xF;
	[tilespmem:$0x11280] =	vst v63  }
0x9c: {  	s21 =	sadd.s32 $0x600, s16;
	s18 =	sadd.s32 s3, s18;
	s19 =	sshll.u32 s19, $0x4  }
0x9d: {  	[tilespmem:s20], [sflag:$0x1] =	stream.linear.gather [hbm4b:s17+s2], $0x40, $0x38;
	[tilespmem:$0x11280] =	vst v63  }
0x9e: {  	s17 =	sand.u32 $0x1FFFFFF0, s19;
	s19 =	spop (v2sf)  }
0x9f: {  	[tilespmem:s21], [sflag:$0x1] =	stream.strided.gather [hbm4b:s18+s9], $0x0, s10, s9, $0x38;
	(v2sf) =	vpush v11, $0xF;
	[tilespmem:$0x11280] =	vst v63  }
0xa0: {  	s20 =	sadd.s32 $0x680, s16;
	s17 =	sadd.s32 s3, s17;
	s19 =	sshll.u32 s19, $0x4  }
0xa1: {  	[tilespmem:s21], [sflag:$0x1] =	stream.linear.gather [hbm4b:s18+s2], $0x40, $0x38;
	[tilespmem:$0x11280] =	vst v63  }
0xa2: {  	s18 =	sand.u32 $0x1FFFFFF0, s19;
	s19 =	spop (v2sf)  }
0xa3: {  	[tilespmem:s20], [sflag:$0x1] =	stream.strided.gather [hbm4b:s17+s9], $0x0, s10, s9, $0x38;
	(v2sf) =	vpush v12, $0xF;
	[tilespmem:$0x11280] =	vst v63  }
0xa4: {  	s21 =	sadd.s32 $0x700, s16;
	s18 =	sadd.s32 s3, s18;
	s19 =	sshll.u32 s19, $0x4  }
0xa5: {  	[tilespmem:s20], [sflag:$0x1] =	stream.linear.gather [hbm4b:s17+s2], $0x40, $0x38;
	[tilespmem:$0x11280] =	vst v63  }
0xa6: {  	s17 =	sand.u32 $0x1FFFFFF0, s19;
	s19 =	spop (v2sf)  }
0xa7: {  	[tilespmem:s21], [sflag:$0x1] =	stream.strided.gather [hbm4b:s18+s9], $0x0, s10, s9, $0x38;
	(v2sf) =	vpush v13, $0xF;
	[tilespmem:$0x11280] =	vst v63  }
0xa8: {  	s20 =	sadd.s32 $0x780, s16;
	s17 =	sadd.s32 s3, s17;
	s19 =	sshll.u32 s19, $0x4  }
0xa9: {  	[tilespmem:s21], [sflag:$0x1] =	stream.linear.gather [hbm4b:s18+s2], $0x40, $0x38;
	[tilespmem:$0x11280] =	vst v63  }
0xaa: {  	s18 =	sand.u32 $0x1FFFFFF0, s19;
	s19 =	spop (v2sf)  }
0xab: {  	[tilespmem:s20], [sflag:$0x1] =	stream.strided.gather [hbm4b:s17+s9], $0x0, s10, s9, $0x38;
	[tilespmem:$0x11280] =	vst v63  }
0xac: {  	s21 =	sadd.s32 $0x800, s16;
	s18 =	sadd.s32 s3, s18;
	s19 =	sshll.u32 s19, $0x4  }
0xad: {  	[tilespmem:s20], [sflag:$0x1] =	stream.linear.gather [hbm4b:s17+s2], $0x40, $0x38;
	[tilespmem:$0x11280] =	vst v63  }
0xae: {  	s17 =	sand.u32 $0x1FFFFFF0, s19;
	s19 =	spop (v2sf)  }
0xaf: {  	[tilespmem:s21], [sflag:$0x1] =	stream.strided.gather [hbm4b:s18+s9], $0x0, s10, s9, $0x38;
	[tilespmem:$0x11280] =	vst v63  }
0xb0: {  	s20 =	sadd.s32 $0x880, s16;
	s17 =	sadd.s32 s3, s17;
	s19 =	sshll.u32 s19, $0x4  }
0xb1: {  	[tilespmem:s21], [sflag:$0x1] =	stream.linear.gather [hbm4b:s18+s2], $0x40, $0x38;
	[tilespmem:$0x11280] =	vst v63  }
0xb2: {  	s18 =	sand.u32 $0x1FFFFFF0, s19;
	s19 =	spop (v2sf)  }
0xb3: {  	[tilespmem:s20], [sflag:$0x1] =	stream.strided.gather [hbm4b:s17+s9], $0x0, s10, s9, $0x38;
	[tilespmem:$0x11280] =	vst v63  }
0xb4: {  	s21 =	sadd.s32 $0x900, s16;
	s18 =	sadd.s32 s3, s18;
	s19 =	sshll.u32 s19, $0x4  }
0xb5: {  	[tilespmem:s20], [sflag:$0x1] =	stream.linear.gather [hbm4b:s17+s2], $0x40, $0x38;
	[tilespmem:$0x11280] =	vst v63  }
0xb6: {  	s17 =	sand.u32 $0x1FFFFFF0, s19;
	s19 =	spop (v2sf)  }
0xb7: {  	[tilespmem:s21], [sflag:$0x1] =	stream.strided.gather [hbm4b:s18+s9], $0x0, s10, s9, $0x38;
	[tilespmem:$0x11280] =	vst v63  }
0xb8: {  	s20 =	sadd.s32 $0x980, s16;
	s22 =	sadd.s32 s3, s17;
	s17 =	sshll.u32 s19, $0x4  }
0xb9: {  	[tilespmem:s21], [sflag:$0x1] =	stream.linear.gather [hbm4b:s18+s2], $0x40, $0x38;
	[tilespmem:$0x11280] =	vst v63  }
.Ltmp0:
0xba: {  	s18 =	sand.u32 $0x1FFFFFF0, s17;
	(pc) =	sbr.rel @p0 .LBB2_2-.Ltmp0, $4  }
0xbb: {  	[tilespmem:s20], [sflag:$0x1] =	stream.strided.gather [hbm4b:s22+s9], $0x0, s10, s9, $0x38;
	[tilespmem:$0x11280] =	vst v63  }
0xbc: {  	s17 =	sadd.s32 $0xA00, s16;
	s18 =	sadd.s32 s3, s18  }
0xbd: {  	[tilespmem:s20], [sflag:$0x1] =	stream.linear.gather [hbm4b:s22+s2], $0x40, $0x38;
	[tilespmem:$0x11280] =	vst v63  }
0xbe: {  	s14 =	sadd.s32 $0x10, s14;
	s15 =	sadd.s32 $0x10, s15  }
0xbf: {  	[tilespmem:s17], [sflag:$0x1] =	stream.strided.gather [hbm4b:s18+s9], $0x0, s10, s9, $0x38;
	[tilespmem:$0x11280] =	vst v63  }
0xc0: {  	_ = 	snop  }
0xc1: {  	[tilespmem:s17], [sflag:$0x1] =	stream.linear.gather [hbm4b:s18+s2], $0x40, $0x38;
	[tilespmem:$0x11280] =	vst v63  }
0xc2: {  	s12 =	sadd.s32 $0x1, s12;
	_ =	swait.ge [sflag:s11], $0x8800  }
0xc3: {  	p0 =	sne.s32 s12, s6;
	[sflag:s11] =	ssyncset.done $0x0  }
.Ltmp1:
0xc4: {  	[sflag:s11] =	ssyncadd.s32 $0xFFFF7800;
	(pc) =	sbr.rel @p0 .LBB2_1-.Ltmp1, $4  }
0xc5: {  	[hbm4b:s5+s2] =	stream.linear.scatter [tilespmem:s8], [sflag:$0x2], $0x11000, $0x38;
	[tilespmem:$0x11280] =	vst v63  }
0xc6: {  	_ =	swait.ge [sflag:s7], $0x11000  }
0xc7: {  	[sflag:s7] =	ssyncset.done $0x0  }
0xc8: {  	[sflag:s7] =	ssyncadd.s32 $0xFFFEF000  }
0xc9: {  	_ =	sfence.sel $0x180000  }
0xca: {  	[bflag:$0x0] =	sbarrier.arrive $0xFFFF  }
0xcb: {  	p0 =	sne.s32 s0, $0x0;
	_ =	strace $0x90000047  }
0xcc: {  	s0 =	sadd.s32 @!p0 $0x100000, s1;
	[bflag:$0x2] =	sbarrier.arrive $0xFFFF  }
0xcd: {  	[sflag:s0] =	ssyncadd.tile.s32 @!p0 $0x1;
	_ =	shalt  }
.Lfunc_end2:
_tile_overlayer_lowered:
.L_overlay_start_2:
0xce: {  	(tag) =	ssettag $0x2  }
0xcf: {  	s0 =	rddreg [dreg:$0x0];
	s2 =	stileid.u32  }
0xd0: {  	s1 =	rddreg [dreg:$0x1];
	p0 =	sne.s32 s2, $0x0  }
0xd1: {  	s3 =	rddreg [dreg:$0x2];
	[bflag:$0x3] =	sbarrier.arrive $0xFFFF;
	s2 =	simm.s32 @!p0 $0x1C02  }
0xd2: {  	[timem:s3], [sflag:s2] =	dma.local @!p0 [hbm:s0], s1  }
0xd3: {  	s0 =	simm.s32 @!p0 $0x2  }
0xd4: {  	_ =	swait.ge @!p0 [sflag:s0], s1  }
0xd5: {  	s1 =	ssub.s32 @!p0 $0x0, s1;
	[sflag:s0] =	ssyncset.done @!p0 $0x0  }
0xd6: {  	[sflag:s0] =	ssyncadd.s32 @!p0 s1  }
0xd7: {  	[bflag:$0x3] =	sbarrier.arrive $0xFFFF  }
0xd8: {  	_ =	shalt  }

</sc_bundles>
